<compile_context>
chip_gen: v7x
topology: tpu7x:2x2x1
jax: 0.10.2.dev20260603
libtpu: 0.0.44.dev20260713+nightly
codegen_flags: <defaults>
</compile_context>

<pallas_src>
import functools

import jax
import jax.numpy as jnp
from jax import lax
from jax.experimental import pallas as pl
from jax.experimental.pallas import tpu as pltpu
from jax.experimental.pallas import tpu_sc as plsc

NC, NS, L = 2, 16, 16
NW = NC * NS


@functools.lru_cache(maxsize=None)
def _prop(npad, d, e):
  epw = e // NW
  batch = 80
  nb = epw // batch
  rpw = npad // NS
  mesh = plsc.VectorSubcoreMesh(
      core_axis_name="c", subcore_axis_name="s", num_cores=NC, num_subcores=NS)

  def body(h_hbm, src_hbm, dst_hbm, zeros_hbm, part_hbm,
           sidx, didx, rows, acc_sh, sem):
    c = lax.axis_index("c")
    s = lax.axis_index("s")
    w = s * NC + c
    pltpu.sync_copy(zeros_hbm.at[pl.ds(s * rpw, rpw)],
                    acc_sh.at[pl.ds(s * rpw, rpw)])
    plsc.subcore_barrier()
    base = w * epw

    def step(b, carry):
      off = base + b * batch
      pltpu.sync_copy(src_hbm.at[pl.ds(off, batch)], sidx)
      pltpu.sync_copy(dst_hbm.at[pl.ds(off, batch)], didx)
      pltpu.async_copy(h_hbm.at[sidx], rows, sem).wait()
      pltpu.sync_copy(rows, acc_sh.at[didx], add=True)
      return carry

    lax.fori_loop(0, nb, step, 0)
    plsc.subcore_barrier()
    pltpu.sync_copy(acc_sh.at[pl.ds(s * rpw, rpw)],
                    part_hbm.at[c, pl.ds(s * rpw, rpw)])

  return pl.kernel(
      body,
      out_type=jax.ShapeDtypeStruct((NC, npad, d), jnp.float32),
      mesh=mesh,
      compiler_params=pltpu.CompilerParams(use_tc_tiling_on_sc=(d == 128)),
      scratch_types=[
          pltpu.VMEM((batch,), jnp.int32),
          pltpu.VMEM((batch,), jnp.int32),
          pltpu.VMEM((batch, d), jnp.float32),
          pltpu.VMEM_SHARED((npad, d), jnp.float32),
          pltpu.SemaphoreType.DMA,
      ])


def _dinv(degp_ref):
  deg = degp_ref[0][:, 0:1] + degp_ref[1][:, 0:1]
  return jnp.where(deg > 0, lax.rsqrt(jnp.maximum(deg, 1.0)), 0.0)


def _tc1(x, w1, b1, degp):
  n = x.shape[0]
  r = 1000

  def body(x_ref, w_ref, b_ref, degp_ref, out_ref):
    dinv = _dinv(degp_ref)
    h = jnp.dot(x_ref[...], w_ref[...], preferred_element_type=jnp.float32)
    out_ref[...] = (h + b_ref[...]) * dinv

  return pl.pallas_call(
      body,
      grid=(n // r,),
      in_specs=[
          pl.BlockSpec((r, 128), lambda i: (i, 0)),
          pl.BlockSpec((128, 128), lambda i: (0, 0)),
          pl.BlockSpec((1, 128), lambda i: (0, 0)),
          pl.BlockSpec((NC, r, 16), lambda i: (0, i, 0)),
      ],
      out_specs=pl.BlockSpec((r, 128), lambda i: (i, 0)),
      out_shape=jax.ShapeDtypeStruct((n, 128), jnp.float32),
  )(x, w1, b1.reshape(1, 128), degp)


def _tc2(n, p, degp, w2, b2):
  r = 1000

  def body(p_ref, degp_ref, w_ref, b_ref, out_ref):
    dinv = _dinv(degp_ref)
    t = jnp.maximum((p_ref[0] + p_ref[1]) * dinv, 0.0)
    h = jnp.dot(t, w_ref[...], preferred_element_type=jnp.float32)
    out_ref[...] = (h + b_ref[...]) * dinv

  return pl.pallas_call(
      body,
      grid=(n // r,),
      in_specs=[
          pl.BlockSpec((NC, r, 128), lambda i: (0, i, 0)),
          pl.BlockSpec((NC, r, 16), lambda i: (0, i, 0)),
          pl.BlockSpec((128, 128), lambda i: (0, 0)),
          pl.BlockSpec((1, 128), lambda i: (0, 0)),
      ],
      out_specs=pl.BlockSpec((r, 128), lambda i: (i, 0)),
      out_shape=jax.ShapeDtypeStruct((n, 128), jnp.float32),
  )(p, degp, w2, b2.reshape(1, 128))


def _tc3(n, q, degp):
  r = 1000

  def body(q_ref, degp_ref, out_ref):
    dinv = _dinv(degp_ref)
    out_ref[...] = (q_ref[0] + q_ref[1]) * dinv

  return pl.pallas_call(
      body,
      grid=(n // r,),
      in_specs=[
          pl.BlockSpec((NC, r, 128), lambda i: (0, i, 0)),
          pl.BlockSpec((NC, r, 16), lambda i: (0, i, 0)),
      ],
      out_specs=pl.BlockSpec((r, 128), lambda i: (i, 0)),
      out_shape=jax.ShapeDtypeStruct((n, 128), jnp.float32),
  )(q, degp)


def kernel(x, edge_index, W1, b1, W2, b2):
  n = x.shape[0]
  src = edge_index[0].astype(jnp.int32)
  dst = edge_index[1].astype(jnp.int32)
  e = src.shape[0]
  npad = ((n + 8 * NS - 1) // (8 * NS)) * (8 * NS)

  ones16 = jnp.ones((n, 16), jnp.float32)
  z16 = jnp.zeros((npad, 16), jnp.float32)
  z128 = jnp.zeros((npad, 128), jnp.float32)

  degp = _prop(npad, 16, e)(ones16, src, dst, z16)
  h1s = _tc1(x, W1, b1, degp)
  p = _prop(npad, 128, e)(h1s, src, dst, z128)
  h2s = _tc2(n, p, degp, W2, b2)
  q = _prop(npad, 128, e)(h2s, src, dst, z128)
  return _tc3(n, q, degp)

# --- scband reference (transcript-rebuilt; emitter-appended) ---
"""Pipeline reference for scband-ebd-gnn-90752658964688 (READ-ONLY COPY).

The authoritative reference and input builder live on the scoring server;
editing this copy changes nothing except your own understanding.
"""

import jax, jax.numpy as jnp
import numpy as np

N_NODES = 10000
N_EDGES = 320000
D_IN = 128
D_HID = 128
D_OUT = 128


def setup_inputs(seed: int = 0) -> dict:
    key = jax.random.key(seed)
    k1, k2, k3, k4, k5, k6 = jax.random.split(key, 6)
    x = jax.random.normal(k1, (N_NODES, D_IN), dtype=jnp.float32)
    edge_index = jax.random.randint(k2, (2, N_EDGES), 0, N_NODES, dtype=jnp.int64)
    # glorot-ish init for learned weights
    s1 = float(np.sqrt(6.0 / (D_IN + D_HID)))
    s2 = float(np.sqrt(6.0 / (D_HID + D_OUT)))
    W1 = jax.random.uniform(k3, (D_IN, D_HID), dtype=jnp.float32, minval=-s1, maxval=s1)
    b1 = jnp.zeros((D_HID,), dtype=jnp.float32)
    W2 = jax.random.uniform(k4, (D_HID, D_OUT), dtype=jnp.float32, minval=-s2, maxval=s2)
    b2 = jnp.zeros((D_OUT,), dtype=jnp.float32)
    return {"x": x, "edge_index": edge_index, "W1": W1, "b1": b1, "W2": W2, "b2": b2}


def reference(x, edge_index, W1, b1, W2, b2):
    # EbdGNN with a GCN-style backbone (2 GCNConv layers, symmetric gcn_norm,
    # no self-loops as in the provided GCN class, eval mode => dropout/bn identity).
    n = x.shape[0]
    src = edge_index[0]
    dst = edge_index[1]
    # gcn_norm: deg over destination nodes, norm = d_src^-1/2 * d_dst^-1/2
    deg = jnp.zeros((n,), dtype=x.dtype).at[dst].add(1.0)
    deg_inv_sqrt = jnp.where(deg > 0, jax.lax.rsqrt(jnp.maximum(deg, 1.0)), 0.0)
    norm = deg_inv_sqrt[src] * deg_inv_sqrt[dst]

    def propagate(h):
        msg = jnp.take(h, src, axis=0) * norm[:, None]
        return jax.ops.segment_sum(msg, dst, num_segments=n)

    h = x @ W1 + b1
    h = propagate(h)
    h = jax.nn.relu(h)
    out = h @ W2 + b2
    out = propagate(out)
    return out

if __name__ == "__main__":
    import jax
    _d = setup_inputs()
    print(jax.jit(kernel)(*tuple(_d.values())))

</pallas_src>

<mosaic_0001>
#map = affine_map<(d0, d1) -> (0, 0)>
#map1 = affine_map<(d0, d1) -> (0)>
#map2 = affine_map<(d0, d1) -> (0, 0, 0)>
module attributes {stable_mosaic.version = 14 : i64} {
  func.func @body(%arg0: i32, %arg1: i32, %arg2: memref<10000x128xf32, #tpu.memory_space<hbm>>, %arg3: memref<320000xi32, #tpu.memory_space<hbm>>, %arg4: memref<320000xi32, #tpu.memory_space<hbm>>, %arg5: memref<10112x128xf32, #tpu.memory_space<hbm>>, %arg6: memref<2x10112x128xf32, #tpu.memory_space<hbm>>, %arg7: memref<80xi32, #tpu.memory_space<vmem>>, %arg8: memref<80xi32, #tpu.memory_space<vmem>>, %arg9: memref<80x128xf32, #tpu.memory_space<vmem>>, %arg10: memref<10112x128xf32, #tpu.memory_space<vmem_shared>>, %arg11: memref<!tpu.dma_semaphore, #tpu.memory_space<semaphore_mem>>) attributes {dimension_semantics = [#tpu.dimension_semantics<core_parallel>, #tpu.dimension_semantics<subcore_parallel>], iteration_bounds = array<i64: 2, 16>, scalar_prefetch = 0 : i64, scratch_operands = 5 : i64, tpu.core_type = #tpu.core_type<sc_vector_subcore>, window_params = [{transform_indices = #map}, {transform_indices = #map1}, {transform_indices = #map1}, {transform_indices = #map}, {transform_indices = #map2}]} {
    %mul3A = arith.constant 2 : i32
    %mul3A_0 = arith.muli %arg1, %mul3A : i32
    %add3A = arith.addi %mul3A_0, %arg0 : i32
    %mul3A_1 = arith.constant 632 : i32
    %mul3A_2 = arith.muli %arg1, %mul3A_1 : i32
    %mul3A_3 = arith.constant 632 : i32
    %mul3A_4 = arith.muli %arg1, %mul3A_3 : i32
    "tpu.region"() ({
      %run_scoped3A = tpu.sem_alloc : memref<!tpu.dma_semaphore, #tpu.memory_space<semaphore_mem>>
      %dma_start3A = arith.constant 0 : i32
      %dma_start3A_17 = tpu.memref_slice %arg10[%mul3A_4, %dma_start3A] : memref<10112x128xf32, #tpu.memory_space<vmem_shared>> -> memref<632x128xf32, #tpu.memory_space<vmem_shared>>
      %dma_start3A_18 = arith.constant 0 : i32
      %dma_start3A_19 = tpu.memref_slice %arg5[%mul3A_2, %dma_start3A_18] : memref<10112x128xf32, #tpu.memory_space<hbm>> -> memref<632x128xf32, #tpu.memory_space<hbm>>
      tpu.enqueue_dma source(%dma_start3A_19 : memref<632x128xf32, #tpu.memory_space<hbm>>) target(%dma_start3A_17 : memref<632x128xf32, #tpu.memory_space<vmem_shared>>) target_semaphore(%run_scoped3A : memref<!tpu.dma_semaphore, #tpu.memory_space<semaphore_mem>>)
      %dma_wait3A = arith.constant 0 : i32
      %dma_wait3A_20 = tpu.memref_slice %arg10[%mul3A_4, %dma_wait3A] : memref<10112x128xf32, #tpu.memory_space<vmem_shared>> -> memref<632x128xf32, #tpu.memory_space<vmem_shared>>
      %dma_wait3A_21 = arith.constant 0 : i32
      %dma_wait3A_22 = tpu.memref_slice %arg5[%mul3A_2, %dma_wait3A_21] : memref<10112x128xf32, #tpu.memory_space<hbm>> -> memref<632x128xf32, #tpu.memory_space<hbm>>
      tpu.wait_dma2 semaphore(%run_scoped3A : memref<!tpu.dma_semaphore, #tpu.memory_space<semaphore_mem>>) src(%dma_wait3A_22 : memref<632x128xf32, #tpu.memory_space<hbm>>) dst(%dma_wait3A_20 : memref<632x128xf32, #tpu.memory_space<vmem_shared>>)
      tpu.yield
    }) : () -> ()
    %barrier3A = arith.constant 0 : index
    tpu.barrier barrier_id(%barrier3A)
    %mul3A_5 = arith.constant 10000 : i32
    %mul3A_6 = arith.muli %add3A, %mul3A_5 : i32
    %scan3A = arith.constant 0 : i32
    %scan3A_7 = arith.constant 0 : i32
    %scan3A_8 = arith.constant 125 : i32
    %scan3A_9 = arith.addi %scan3A_7, %scan3A_8 : i32
    %scan3A_10 = arith.constant 1 : i32
    scf.for %scan3A_17 = %scan3A_7 to %scan3A_9 step %scan3A_10  : i32 {
      %mul3A_18 = arith.constant 80 : i32
      %mul3A_19 = arith.muli %scan3A_17, %mul3A_18 : i32
      %add3A_20 = arith.addi %mul3A_6, %mul3A_19 : i32
      "tpu.region"() ({
        %run_scoped3A = tpu.sem_alloc : memref<!tpu.dma_semaphore, #tpu.memory_space<semaphore_mem>>
        %dma_start3A_25 = tpu.memref_slice %arg3[%add3A_20] : memref<320000xi32, #tpu.memory_space<hbm>> -> memref<80xi32, #tpu.memory_space<hbm>>
        %dma_start3A_26 = tpu.memref_slice %arg3[%add3A_20] : memref<320000xi32, #tpu.memory_space<hbm>> -> memref<80xi32, #tpu.memory_space<hbm>>
        tpu.enqueue_dma source(%dma_start3A_26 : memref<80xi32, #tpu.memory_space<hbm>>) target(%arg7 : memref<80xi32, #tpu.memory_space<vmem>>) target_semaphore(%run_scoped3A : memref<!tpu.dma_semaphore, #tpu.memory_space<semaphore_mem>>)
        %dma_wait3A_27 = tpu.memref_slice %arg3[%add3A_20] : memref<320000xi32, #tpu.memory_space<hbm>> -> memref<80xi32, #tpu.memory_space<hbm>>
        %dma_wait3A_28 = tpu.memref_slice %arg3[%add3A_20] : memref<320000xi32, #tpu.memory_space<hbm>> -> memref<80xi32, #tpu.memory_space<hbm>>
        tpu.wait_dma2 semaphore(%run_scoped3A : memref<!tpu.dma_semaphore, #tpu.memory_space<semaphore_mem>>) src(%dma_wait3A_28 : memref<80xi32, #tpu.memory_space<hbm>>) dst(%arg7 : memref<80xi32, #tpu.memory_space<vmem>>)
        tpu.yield
      }) : () -> ()
      "tpu.region"() ({
        %run_scoped3A = tpu.sem_alloc : memref<!tpu.dma_semaphore, #tpu.memory_space<semaphore_mem>>
        %dma_start3A_25 = tpu.memref_slice %arg4[%add3A_20] : memref<320000xi32, #tpu.memory_space<hbm>> -> memref<80xi32, #tpu.memory_space<hbm>>
        %dma_start3A_26 = tpu.memref_slice %arg4[%add3A_20] : memref<320000xi32, #tpu.memory_space<hbm>> -> memref<80xi32, #tpu.memory_space<hbm>>
        tpu.enqueue_dma source(%dma_start3A_26 : memref<80xi32, #tpu.memory_space<hbm>>) target(%arg8 : memref<80xi32, #tpu.memory_space<vmem>>) target_semaphore(%run_scoped3A : memref<!tpu.dma_semaphore, #tpu.memory_space<semaphore_mem>>)
        %dma_wait3A_27 = tpu.memref_slice %arg4[%add3A_20] : memref<320000xi32, #tpu.memory_space<hbm>> -> memref<80xi32, #tpu.memory_space<hbm>>
        %dma_wait3A_28 = tpu.memref_slice %arg4[%add3A_20] : memref<320000xi32, #tpu.memory_space<hbm>> -> memref<80xi32, #tpu.memory_space<hbm>>
        tpu.wait_dma2 semaphore(%run_scoped3A : memref<!tpu.dma_semaphore, #tpu.memory_space<semaphore_mem>>) src(%dma_wait3A_28 : memref<80xi32, #tpu.memory_space<hbm>>) dst(%arg8 : memref<80xi32, #tpu.memory_space<vmem>>)
        tpu.yield
      }) : () -> ()
      %dma_start3A = arith.constant 0 : i32
      %dma_start3A_21 = arith.constant 0 : i32
      %dma_start3A_22 = tpu.memref_slice %arg2[%dma_start3A, %dma_start3A_21] : memref<10000x128xf32, #tpu.memory_space<hbm>> -> memref<10000x128xf32, #tpu.memory_space<hbm>>
      tpu.enqueue_indirect_dma source(%dma_start3A_22 : memref<10000x128xf32, #tpu.memory_space<hbm>>) target(%arg9 : memref<80x128xf32, #tpu.memory_space<vmem>>) offsets(%arg7 : memref<80xi32, #tpu.memory_space<vmem>>) semaphore(%arg11 : memref<!tpu.dma_semaphore, #tpu.memory_space<semaphore_mem>>)
      %dma_wait3A = arith.constant 0 : i32
      %dma_wait3A_23 = arith.constant 0 : i32
      %dma_wait3A_24 = tpu.memref_slice %arg2[%dma_wait3A, %dma_wait3A_23] : memref<10000x128xf32, #tpu.memory_space<hbm>> -> memref<10000x128xf32, #tpu.memory_space<hbm>>
      tpu.wait_indirect_dma semaphore(%arg11 : memref<!tpu.dma_semaphore, #tpu.memory_space<semaphore_mem>>) src(%dma_wait3A_24 : memref<10000x128xf32, #tpu.memory_space<hbm>>) dst(%arg9 : memref<80x128xf32, #tpu.memory_space<vmem>>)
      "tpu.region"() ({
        %run_scoped3A = tpu.sem_alloc : memref<!tpu.dma_semaphore, #tpu.memory_space<semaphore_mem>>
        %dma_start3A_25 = arith.constant 0 : i32
        %dma_start3A_26 = arith.constant 0 : i32
        %dma_start3A_27 = tpu.memref_slice %arg10[%dma_start3A_25, %dma_start3A_26] : memref<10112x128xf32, #tpu.memory_space<vmem_shared>> -> memref<10112x128xf32, #tpu.memory_space<vmem_shared>>
        tpu.enqueue_indirect_dma source(%arg9 : memref<80x128xf32, #tpu.memory_space<vmem>>) target(%dma_start3A_27 : memref<10112x128xf32, #tpu.memory_space<vmem_shared>>) offsets(%arg8 : memref<80xi32, #tpu.memory_space<vmem>>) semaphore(%run_scoped3A : memref<!tpu.dma_semaphore, #tpu.memory_space<semaphore_mem>>) {add = true}
        %dma_wait3A_28 = arith.constant 0 : i32
        %dma_wait3A_29 = arith.constant 0 : i32
        %dma_wait3A_30 = tpu.memref_slice %arg10[%dma_wait3A_28, %dma_wait3A_29] : memref<10112x128xf32, #tpu.memory_space<vmem_shared>> -> memref<10112x128xf32, #tpu.memory_space<vmem_shared>>
        tpu.wait_indirect_dma semaphore(%run_scoped3A : memref<!tpu.dma_semaphore, #tpu.memory_space<semaphore_mem>>) src(%arg9 : memref<80x128xf32, #tpu.memory_space<vmem>>) dst(%dma_wait3A_30 : memref<10112x128xf32, #tpu.memory_space<vmem_shared>>)
        tpu.yield
      }) : () -> ()
    }
    %scan3A_11 = arith.constant 125 : i32
    %barrier3A_12 = arith.constant 0 : index
    tpu.barrier barrier_id(%barrier3A_12)
    %mul3A_13 = arith.constant 632 : i32
    %mul3A_14 = arith.muli %arg1, %mul3A_13 : i32
    %mul3A_15 = arith.constant 632 : i32
    %mul3A_16 = arith.muli %arg1, %mul3A_15 : i32
    "tpu.region"() ({
      %run_scoped3A = tpu.sem_alloc : memref<!tpu.dma_semaphore, #tpu.memory_space<semaphore_mem>>
      %dma_start3A = arith.constant 0 : i32
      %dma_start3A_17 = tpu.memref_slice %arg6[%arg0, %mul3A_16, %dma_start3A] : memref<2x10112x128xf32, #tpu.memory_space<hbm>> -> memref<1x632x128xf32, #tpu.memory_space<hbm>>
      %dma_start3A_18 = tpu.memref_squeeze %dma_start3A_17 : memref<1x632x128xf32, #tpu.memory_space<hbm>> -> memref<632x128xf32, #tpu.memory_space<hbm>>
      %dma_start3A_19 = arith.constant 0 : i32
      %dma_start3A_20 = tpu.memref_slice %arg10[%mul3A_14, %dma_start3A_19] : memref<10112x128xf32, #tpu.memory_space<vmem_shared>> -> memref<632x128xf32, #tpu.memory_space<vmem_shared>>
      tpu.enqueue_dma source(%dma_start3A_20 : memref<632x128xf32, #tpu.memory_space<vmem_shared>>) target(%dma_start3A_18 : memref<632x128xf32, #tpu.memory_space<hbm>>) target_semaphore(%run_scoped3A : memref<!tpu.dma_semaphore, #tpu.memory_space<semaphore_mem>>)
      %dma_wait3A = arith.constant 0 : i32
      %dma_wait3A_21 = tpu.memref_slice %arg6[%arg0, %mul3A_16, %dma_wait3A] : memref<2x10112x128xf32, #tpu.memory_space<hbm>> -> memref<1x632x128xf32, #tpu.memory_space<hbm>>
      %dma_wait3A_22 = tpu.memref_squeeze %dma_wait3A_21 : memref<1x632x128xf32, #tpu.memory_space<hbm>> -> memref<632x128xf32, #tpu.memory_space<hbm>>
      %dma_wait3A_23 = arith.constant 0 : i32
      %dma_wait3A_24 = tpu.memref_slice %arg10[%mul3A_14, %dma_wait3A_23] : memref<10112x128xf32, #tpu.memory_space<vmem_shared>> -> memref<632x128xf32, #tpu.memory_space<vmem_shared>>
      tpu.wait_dma2 semaphore(%run_scoped3A : memref<!tpu.dma_semaphore, #tpu.memory_space<semaphore_mem>>) src(%dma_wait3A_24 : memref<632x128xf32, #tpu.memory_space<vmem_shared>>) dst(%dma_wait3A_22 : memref<632x128xf32, #tpu.memory_space<hbm>>)
      tpu.yield
    }) : () -> ()
    return
  }
}

#map = affine_map<(d0, d1) -> (0, 0)>
#map1 = affine_map<(d0, d1) -> (0)>
#map2 = affine_map<(d0, d1) -> (0, 0, 0)>
module attributes {stable_mosaic.version = 14 : i64} {
  func.func @body(%arg0: i32, %arg1: i32, %arg2: memref<10000x16xf32, #tpu.memory_space<hbm>>, %arg3: memref<320000xi32, #tpu.memory_space<hbm>>, %arg4: memref<320000xi32, #tpu.memory_space<hbm>>, %arg5: memref<10112x16xf32, #tpu.memory_space<hbm>>, %arg6: memref<2x10112x16xf32, #tpu.memory_space<hbm>>, %arg7: memref<80xi32, #tpu.memory_space<vmem>>, %arg8: memref<80xi32, #tpu.memory_space<vmem>>, %arg9: memref<80x16xf32, #tpu.memory_space<vmem>>, %arg10: memref<10112x16xf32, #tpu.memory_space<vmem_shared>>, %arg11: memref<!tpu.dma_semaphore, #tpu.memory_space<semaphore_mem>>) attributes {dimension_semantics = [#tpu.dimension_semantics<core_parallel>, #tpu.dimension_semantics<subcore_parallel>], iteration_bounds = array<i64: 2, 16>, scalar_prefetch = 0 : i64, scratch_operands = 5 : i64, tpu.core_type = #tpu.core_type<sc_vector_subcore>, window_params = [{transform_indices = #map}, {transform_indices = #map1}, {transform_indices = #map1}, {transform_indices = #map}, {transform_indices = #map2}]} {
    %mul3A = arith.constant 2 : i32
    %mul3A_0 = arith.muli %arg1, %mul3A : i32
    %add3A = arith.addi %mul3A_0, %arg0 : i32
    %mul3A_1 = arith.constant 632 : i32
    %mul3A_2 = arith.muli %arg1, %mul3A_1 : i32
    %mul3A_3 = arith.constant 632 : i32
    %mul3A_4 = arith.muli %arg1, %mul3A_3 : i32
    "tpu.region"() ({
      %run_scoped3A = tpu.sem_alloc : memref<!tpu.dma_semaphore, #tpu.memory_space<semaphore_mem>>
      %dma_start3A = arith.constant 0 : i32
      %dma_start3A_17 = tpu.memref_slice %arg10[%mul3A_4, %dma_start3A] : memref<10112x16xf32, #tpu.memory_space<vmem_shared>> -> memref<632x16xf32, #tpu.memory_space<vmem_shared>>
      %dma_start3A_18 = arith.constant 0 : i32
      %dma_start3A_19 = tpu.memref_slice %arg5[%mul3A_2, %dma_start3A_18] : memref<10112x16xf32, #tpu.memory_space<hbm>> -> memref<632x16xf32, #tpu.memory_space<hbm>>
      tpu.enqueue_dma source(%dma_start3A_19 : memref<632x16xf32, #tpu.memory_space<hbm>>) target(%dma_start3A_17 : memref<632x16xf32, #tpu.memory_space<vmem_shared>>) target_semaphore(%run_scoped3A : memref<!tpu.dma_semaphore, #tpu.memory_space<semaphore_mem>>)
      %dma_wait3A = arith.constant 0 : i32
      %dma_wait3A_20 = tpu.memref_slice %arg10[%mul3A_4, %dma_wait3A] : memref<10112x16xf32, #tpu.memory_space<vmem_shared>> -> memref<632x16xf32, #tpu.memory_space<vmem_shared>>
      %dma_wait3A_21 = arith.constant 0 : i32
      %dma_wait3A_22 = tpu.memref_slice %arg5[%mul3A_2, %dma_wait3A_21] : memref<10112x16xf32, #tpu.memory_space<hbm>> -> memref<632x16xf32, #tpu.memory_space<hbm>>
      tpu.wait_dma2 semaphore(%run_scoped3A : memref<!tpu.dma_semaphore, #tpu.memory_space<semaphore_mem>>) src(%dma_wait3A_22 : memref<632x16xf32, #tpu.memory_space<hbm>>) dst(%dma_wait3A_20 : memref<632x16xf32, #tpu.memory_space<vmem_shared>>)
      tpu.yield
    }) : () -> ()
    %barrier3A = arith.constant 0 : index
    tpu.barrier barrier_id(%barrier3A)
    %mul3A_5 = arith.constant 10000 : i32
    %mul3A_6 = arith.muli %add3A, %mul3A_5 : i32
    %scan3A = arith.constant 0 : i32
    %scan3A_7 = arith.constant 0 : i32
    %scan3A_8 = arith.constant 125 : i32
    %scan3A_9 = arith.addi %scan3A_7, %scan3A_8 : i32
    %scan3A_10 = arith.constant 1 : i32
    scf.for %scan3A_17 = %scan3A_7 to %scan3A_9 step %scan3A_10  : i32 {
      %mul3A_18 = arith.constant 80 : i32
      %mul3A_19 = arith.muli %scan3A_17, %mul3A_18 : i32
      %add3A_20 = arith.addi %mul3A_6, %mul3A_19 : i32
      "tpu.region"() ({
        %run_scoped3A = tpu.sem_alloc : memref<!tpu.dma_semaphore, #tpu.memory_space<semaphore_mem>>
        %dma_start3A_25 = tpu.memref_slice %arg3[%add3A_20] : memref<320000xi32, #tpu.memory_space<hbm>> -> memref<80xi32, #tpu.memory_space<hbm>>
        %dma_start3A_26 = tpu.memref_slice %arg3[%add3A_20] : memref<320000xi32, #tpu.memory_space<hbm>> -> memref<80xi32, #tpu.memory_space<hbm>>
        tpu.enqueue_dma source(%dma_start3A_26 : memref<80xi32, #tpu.memory_space<hbm>>) target(%arg7 : memref<80xi32, #tpu.memory_space<vmem>>) target_semaphore(%run_scoped3A : memref<!tpu.dma_semaphore, #tpu.memory_space<semaphore_mem>>)
        %dma_wait3A_27 = tpu.memref_slice %arg3[%add3A_20] : memref<320000xi32, #tpu.memory_space<hbm>> -> memref<80xi32, #tpu.memory_space<hbm>>
        %dma_wait3A_28 = tpu.memref_slice %arg3[%add3A_20] : memref<320000xi32, #tpu.memory_space<hbm>> -> memref<80xi32, #tpu.memory_space<hbm>>
        tpu.wait_dma2 semaphore(%run_scoped3A : memref<!tpu.dma_semaphore, #tpu.memory_space<semaphore_mem>>) src(%dma_wait3A_28 : memref<80xi32, #tpu.memory_space<hbm>>) dst(%arg7 : memref<80xi32, #tpu.memory_space<vmem>>)
        tpu.yield
      }) : () -> ()
      "tpu.region"() ({
        %run_scoped3A = tpu.sem_alloc : memref<!tpu.dma_semaphore, #tpu.memory_space<semaphore_mem>>
        %dma_start3A_25 = tpu.memref_slice %arg4[%add3A_20] : memref<320000xi32, #tpu.memory_space<hbm>> -> memref<80xi32, #tpu.memory_space<hbm>>
        %dma_start3A_26 = tpu.memref_slice %arg4[%add3A_20] : memref<320000xi32, #tpu.memory_space<hbm>> -> memref<80xi32, #tpu.memory_space<hbm>>
        tpu.enqueue_dma source(%dma_start3A_26 : memref<80xi32, #tpu.memory_space<hbm>>) target(%arg8 : memref<80xi32, #tpu.memory_space<vmem>>) target_semaphore(%run_scoped3A : memref<!tpu.dma_semaphore, #tpu.memory_space<semaphore_mem>>)
        %dma_wait3A_27 = tpu.memref_slice %arg4[%add3A_20] : memref<320000xi32, #tpu.memory_space<hbm>> -> memref<80xi32, #tpu.memory_space<hbm>>
        %dma_wait3A_28 = tpu.memref_slice %arg4[%add3A_20] : memref<320000xi32, #tpu.memory_space<hbm>> -> memref<80xi32, #tpu.memory_space<hbm>>
        tpu.wait_dma2 semaphore(%run_scoped3A : memref<!tpu.dma_semaphore, #tpu.memory_space<semaphore_mem>>) src(%dma_wait3A_28 : memref<80xi32, #tpu.memory_space<hbm>>) dst(%arg8 : memref<80xi32, #tpu.memory_space<vmem>>)
        tpu.yield
      }) : () -> ()
      %dma_start3A = arith.constant 0 : i32
      %dma_start3A_21 = arith.constant 0 : i32
      %dma_start3A_22 = tpu.memref_slice %arg2[%dma_start3A, %dma_start3A_21] : memref<10000x16xf32, #tpu.memory_space<hbm>> -> memref<10000x16xf32, #tpu.memory_space<hbm>>
      tpu.enqueue_indirect_dma source(%dma_start3A_22 : memref<10000x16xf32, #tpu.memory_space<hbm>>) target(%arg9 : memref<80x16xf32, #tpu.memory_space<vmem>>) offsets(%arg7 : memref<80xi32, #tpu.memory_space<vmem>>) semaphore(%arg11 : memref<!tpu.dma_semaphore, #tpu.memory_space<semaphore_mem>>)
      %dma_wait3A = arith.constant 0 : i32
      %dma_wait3A_23 = arith.constant 0 : i32
      %dma_wait3A_24 = tpu.memref_slice %arg2[%dma_wait3A, %dma_wait3A_23] : memref<10000x16xf32, #tpu.memory_space<hbm>> -> memref<10000x16xf32, #tpu.memory_space<hbm>>
      tpu.wait_indirect_dma semaphore(%arg11 : memref<!tpu.dma_semaphore, #tpu.memory_space<semaphore_mem>>) src(%dma_wait3A_24 : memref<10000x16xf32, #tpu.memory_space<hbm>>) dst(%arg9 : memref<80x16xf32, #tpu.memory_space<vmem>>)
      "tpu.region"() ({
        %run_scoped3A = tpu.sem_alloc : memref<!tpu.dma_semaphore, #tpu.memory_space<semaphore_mem>>
        %dma_start3A_25 = arith.constant 0 : i32
        %dma_start3A_26 = arith.constant 0 : i32
        %dma_start3A_27 = tpu.memref_slice %arg10[%dma_start3A_25, %dma_start3A_26] : memref<10112x16xf32, #tpu.memory_space<vmem_shared>> -> memref<10112x16xf32, #tpu.memory_space<vmem_shared>>
        tpu.enqueue_indirect_dma source(%arg9 : memref<80x16xf32, #tpu.memory_space<vmem>>) target(%dma_start3A_27 : memref<10112x16xf32, #tpu.memory_space<vmem_shared>>) offsets(%arg8 : memref<80xi32, #tpu.memory_space<vmem>>) semaphore(%run_scoped3A : memref<!tpu.dma_semaphore, #tpu.memory_space<semaphore_mem>>) {add = true}
        %dma_wait3A_28 = arith.constant 0 : i32
        %dma_wait3A_29 = arith.constant 0 : i32
        %dma_wait3A_30 = tpu.memref_slice %arg10[%dma_wait3A_28, %dma_wait3A_29] : memref<10112x16xf32, #tpu.memory_space<vmem_shared>> -> memref<10112x16xf32, #tpu.memory_space<vmem_shared>>
        tpu.wait_indirect_dma semaphore(%run_scoped3A : memref<!tpu.dma_semaphore, #tpu.memory_space<semaphore_mem>>) src(%arg9 : memref<80x16xf32, #tpu.memory_space<vmem>>) dst(%dma_wait3A_30 : memref<10112x16xf32, #tpu.memory_space<vmem_shared>>)
        tpu.yield
      }) : () -> ()
    }
    %scan3A_11 = arith.constant 125 : i32
    %barrier3A_12 = arith.constant 0 : index
    tpu.barrier barrier_id(%barrier3A_12)
    %mul3A_13 = arith.constant 632 : i32
    %mul3A_14 = arith.muli %arg1, %mul3A_13 : i32
    %mul3A_15 = arith.constant 632 : i32
    %mul3A_16 = arith.muli %arg1, %mul3A_15 : i32
    "tpu.region"() ({
      %run_scoped3A = tpu.sem_alloc : memref<!tpu.dma_semaphore, #tpu.memory_space<semaphore_mem>>
      %dma_start3A = arith.constant 0 : i32
      %dma_start3A_17 = tpu.memref_slice %arg6[%arg0, %mul3A_16, %dma_start3A] : memref<2x10112x16xf32, #tpu.memory_space<hbm>> -> memref<1x632x16xf32, #tpu.memory_space<hbm>>
      %dma_start3A_18 = tpu.memref_squeeze %dma_start3A_17 : memref<1x632x16xf32, #tpu.memory_space<hbm>> -> memref<632x16xf32, #tpu.memory_space<hbm>>
      %dma_start3A_19 = arith.constant 0 : i32
      %dma_start3A_20 = tpu.memref_slice %arg10[%mul3A_14, %dma_start3A_19] : memref<10112x16xf32, #tpu.memory_space<vmem_shared>> -> memref<632x16xf32, #tpu.memory_space<vmem_shared>>
      tpu.enqueue_dma source(%dma_start3A_20 : memref<632x16xf32, #tpu.memory_space<vmem_shared>>) target(%dma_start3A_18 : memref<632x16xf32, #tpu.memory_space<hbm>>) target_semaphore(%run_scoped3A : memref<!tpu.dma_semaphore, #tpu.memory_space<semaphore_mem>>)
      %dma_wait3A = arith.constant 0 : i32
      %dma_wait3A_21 = tpu.memref_slice %arg6[%arg0, %mul3A_16, %dma_wait3A] : memref<2x10112x16xf32, #tpu.memory_space<hbm>> -> memref<1x632x16xf32, #tpu.memory_space<hbm>>
      %dma_wait3A_22 = tpu.memref_squeeze %dma_wait3A_21 : memref<1x632x16xf32, #tpu.memory_space<hbm>> -> memref<632x16xf32, #tpu.memory_space<hbm>>
      %dma_wait3A_23 = arith.constant 0 : i32
      %dma_wait3A_24 = tpu.memref_slice %arg10[%mul3A_14, %dma_wait3A_23] : memref<10112x16xf32, #tpu.memory_space<vmem_shared>> -> memref<632x16xf32, #tpu.memory_space<vmem_shared>>
      tpu.wait_dma2 semaphore(%run_scoped3A : memref<!tpu.dma_semaphore, #tpu.memory_space<semaphore_mem>>) src(%dma_wait3A_24 : memref<632x16xf32, #tpu.memory_space<vmem_shared>>) dst(%dma_wait3A_22 : memref<632x16xf32, #tpu.memory_space<hbm>>)
      tpu.yield
    }) : () -> ()
    return
  }
}

#map = affine_map<(d0, d1) -> (0, 0)>
#map1 = affine_map<(d0, d1) -> (0)>
#map2 = affine_map<(d0, d1) -> (0, 0, 0)>
module attributes {stable_mosaic.version = 14 : i64} {
  func.func @body(%arg0: i32, %arg1: i32, %arg2: memref<10000x128xf32, #tpu.memory_space<hbm>>, %arg3: memref<320000xi32, #tpu.memory_space<hbm>>, %arg4: memref<320000xi32, #tpu.memory_space<hbm>>, %arg5: memref<10112x128xf32, #tpu.memory_space<hbm>>, %arg6: memref<2x10112x128xf32, #tpu.memory_space<hbm>>, %arg7: memref<80xi32, #tpu.memory_space<vmem>>, %arg8: memref<80xi32, #tpu.memory_space<vmem>>, %arg9: memref<80x128xf32, #tpu.memory_space<vmem>>, %arg10: memref<10112x128xf32, #tpu.memory_space<vmem_shared>>, %arg11: memref<!tpu.dma_semaphore, #tpu.memory_space<semaphore_mem>>) attributes {dimension_semantics = [#tpu.dimension_semantics<core_parallel>, #tpu.dimension_semantics<subcore_parallel>], iteration_bounds = array<i64: 2, 16>, scalar_prefetch = 0 : i64, scratch_operands = 5 : i64, tpu.core_type = #tpu.core_type<sc_vector_subcore>, window_params = [{transform_indices = #map}, {transform_indices = #map1}, {transform_indices = #map1}, {transform_indices = #map}, {transform_indices = #map2}]} {
    %mul3A = arith.constant 2 : i32
    %mul3A_0 = arith.muli %arg1, %mul3A : i32
    %add3A = arith.addi %mul3A_0, %arg0 : i32
    %mul3A_1 = arith.constant 632 : i32
    %mul3A_2 = arith.muli %arg1, %mul3A_1 : i32
    %mul3A_3 = arith.constant 632 : i32
    %mul3A_4 = arith.muli %arg1, %mul3A_3 : i32
    "tpu.region"() ({
      %run_scoped3A = tpu.sem_alloc : memref<!tpu.dma_semaphore, #tpu.memory_space<semaphore_mem>>
      %dma_start3A = arith.constant 0 : i32
      %dma_start3A_17 = tpu.memref_slice %arg10[%mul3A_4, %dma_start3A] : memref<10112x128xf32, #tpu.memory_space<vmem_shared>> -> memref<632x128xf32, #tpu.memory_space<vmem_shared>>
      %dma_start3A_18 = arith.constant 0 : i32
      %dma_start3A_19 = tpu.memref_slice %arg5[%mul3A_2, %dma_start3A_18] : memref<10112x128xf32, #tpu.memory_space<hbm>> -> memref<632x128xf32, #tpu.memory_space<hbm>>
      tpu.enqueue_dma source(%dma_start3A_19 : memref<632x128xf32, #tpu.memory_space<hbm>>) target(%dma_start3A_17 : memref<632x128xf32, #tpu.memory_space<vmem_shared>>) target_semaphore(%run_scoped3A : memref<!tpu.dma_semaphore, #tpu.memory_space<semaphore_mem>>)
      %dma_wait3A = arith.constant 0 : i32
      %dma_wait3A_20 = tpu.memref_slice %arg10[%mul3A_4, %dma_wait3A] : memref<10112x128xf32, #tpu.memory_space<vmem_shared>> -> memref<632x128xf32, #tpu.memory_space<vmem_shared>>
      %dma_wait3A_21 = arith.constant 0 : i32
      %dma_wait3A_22 = tpu.memref_slice %arg5[%mul3A_2, %dma_wait3A_21] : memref<10112x128xf32, #tpu.memory_space<hbm>> -> memref<632x128xf32, #tpu.memory_space<hbm>>
      tpu.wait_dma2 semaphore(%run_scoped3A : memref<!tpu.dma_semaphore, #tpu.memory_space<semaphore_mem>>) src(%dma_wait3A_22 : memref<632x128xf32, #tpu.memory_space<hbm>>) dst(%dma_wait3A_20 : memref<632x128xf32, #tpu.memory_space<vmem_shared>>)
      tpu.yield
    }) : () -> ()
    %barrier3A = arith.constant 0 : index
    tpu.barrier barrier_id(%barrier3A)
    %mul3A_5 = arith.constant 10000 : i32
    %mul3A_6 = arith.muli %add3A, %mul3A_5 : i32
    %scan3A = arith.constant 0 : i32
    %scan3A_7 = arith.constant 0 : i32
    %scan3A_8 = arith.constant 125 : i32
    %scan3A_9 = arith.addi %scan3A_7, %scan3A_8 : i32
    %scan3A_10 = arith.constant 1 : i32
    scf.for %scan3A_17 = %scan3A_7 to %scan3A_9 step %scan3A_10  : i32 {
      %mul3A_18 = arith.constant 80 : i32
      %mul3A_19 = arith.muli %scan3A_17, %mul3A_18 : i32
      %add3A_20 = arith.addi %mul3A_6, %mul3A_19 : i32
      "tpu.region"() ({
        %run_scoped3A = tpu.sem_alloc : memref<!tpu.dma_semaphore, #tpu.memory_space<semaphore_mem>>
        %dma_start3A_25 = tpu.memref_slice %arg3[%add3A_20] : memref<320000xi32, #tpu.memory_space<hbm>> -> memref<80xi32, #tpu.memory_space<hbm>>
        %dma_start3A_26 = tpu.memref_slice %arg3[%add3A_20] : memref<320000xi32, #tpu.memory_space<hbm>> -> memref<80xi32, #tpu.memory_space<hbm>>
        tpu.enqueue_dma source(%dma_start3A_26 : memref<80xi32, #tpu.memory_space<hbm>>) target(%arg7 : memref<80xi32, #tpu.memory_space<vmem>>) target_semaphore(%run_scoped3A : memref<!tpu.dma_semaphore, #tpu.memory_space<semaphore_mem>>)
        %dma_wait3A_27 = tpu.memref_slice %arg3[%add3A_20] : memref<320000xi32, #tpu.memory_space<hbm>> -> memref<80xi32, #tpu.memory_space<hbm>>
        %dma_wait3A_28 = tpu.memref_slice %arg3[%add3A_20] : memref<320000xi32, #tpu.memory_space<hbm>> -> memref<80xi32, #tpu.memory_space<hbm>>
        tpu.wait_dma2 semaphore(%run_scoped3A : memref<!tpu.dma_semaphore, #tpu.memory_space<semaphore_mem>>) src(%dma_wait3A_28 : memref<80xi32, #tpu.memory_space<hbm>>) dst(%arg7 : memref<80xi32, #tpu.memory_space<vmem>>)
        tpu.yield
      }) : () -> ()
      "tpu.region"() ({
        %run_scoped3A = tpu.sem_alloc : memref<!tpu.dma_semaphore, #tpu.memory_space<semaphore_mem>>
        %dma_start3A_25 = tpu.memref_slice %arg4[%add3A_20] : memref<320000xi32, #tpu.memory_space<hbm>> -> memref<80xi32, #tpu.memory_space<hbm>>
        %dma_start3A_26 = tpu.memref_slice %arg4[%add3A_20] : memref<320000xi32, #tpu.memory_space<hbm>> -> memref<80xi32, #tpu.memory_space<hbm>>
        tpu.enqueue_dma source(%dma_start3A_26 : memref<80xi32, #tpu.memory_space<hbm>>) target(%arg8 : memref<80xi32, #tpu.memory_space<vmem>>) target_semaphore(%run_scoped3A : memref<!tpu.dma_semaphore, #tpu.memory_space<semaphore_mem>>)
        %dma_wait3A_27 = tpu.memref_slice %arg4[%add3A_20] : memref<320000xi32, #tpu.memory_space<hbm>> -> memref<80xi32, #tpu.memory_space<hbm>>
        %dma_wait3A_28 = tpu.memref_slice %arg4[%add3A_20] : memref<320000xi32, #tpu.memory_space<hbm>> -> memref<80xi32, #tpu.memory_space<hbm>>
        tpu.wait_dma2 semaphore(%run_scoped3A : memref<!tpu.dma_semaphore, #tpu.memory_space<semaphore_mem>>) src(%dma_wait3A_28 : memref<80xi32, #tpu.memory_space<hbm>>) dst(%arg8 : memref<80xi32, #tpu.memory_space<vmem>>)
        tpu.yield
      }) : () -> ()
      %dma_start3A = arith.constant 0 : i32
      %dma_start3A_21 = arith.constant 0 : i32
      %dma_start3A_22 = tpu.memref_slice %arg2[%dma_start3A, %dma_start3A_21] : memref<10000x128xf32, #tpu.memory_space<hbm>> -> memref<10000x128xf32, #tpu.memory_space<hbm>>
      tpu.enqueue_indirect_dma source(%dma_start3A_22 : memref<10000x128xf32, #tpu.memory_space<hbm>>) target(%arg9 : memref<80x128xf32, #tpu.memory_space<vmem>>) offsets(%arg7 : memref<80xi32, #tpu.memory_space<vmem>>) semaphore(%arg11 : memref<!tpu.dma_semaphore, #tpu.memory_space<semaphore_mem>>)
      %dma_wait3A = arith.constant 0 : i32
      %dma_wait3A_23 = arith.constant 0 : i32
      %dma_wait3A_24 = tpu.memref_slice %arg2[%dma_wait3A, %dma_wait3A_23] : memref<10000x128xf32, #tpu.memory_space<hbm>> -> memref<10000x128xf32, #tpu.memory_space<hbm>>
      tpu.wait_indirect_dma semaphore(%arg11 : memref<!tpu.dma_semaphore, #tpu.memory_space<semaphore_mem>>) src(%dma_wait3A_24 : memref<10000x128xf32, #tpu.memory_space<hbm>>) dst(%arg9 : memref<80x128xf32, #tpu.memory_space<vmem>>)
      "tpu.region"() ({
        %run_scoped3A = tpu.sem_alloc : memref<!tpu.dma_semaphore, #tpu.memory_space<semaphore_mem>>
        %dma_start3A_25 = arith.constant 0 : i32
        %dma_start3A_26 = arith.constant 0 : i32
        %dma_start3A_27 = tpu.memref_slice %arg10[%dma_start3A_25, %dma_start3A_26] : memref<10112x128xf32, #tpu.memory_space<vmem_shared>> -> memref<10112x128xf32, #tpu.memory_space<vmem_shared>>
        tpu.enqueue_indirect_dma source(%arg9 : memref<80x128xf32, #tpu.memory_space<vmem>>) target(%dma_start3A_27 : memref<10112x128xf32, #tpu.memory_space<vmem_shared>>) offsets(%arg8 : memref<80xi32, #tpu.memory_space<vmem>>) semaphore(%run_scoped3A : memref<!tpu.dma_semaphore, #tpu.memory_space<semaphore_mem>>) {add = true}
        %dma_wait3A_28 = arith.constant 0 : i32
        %dma_wait3A_29 = arith.constant 0 : i32
        %dma_wait3A_30 = tpu.memref_slice %arg10[%dma_wait3A_28, %dma_wait3A_29] : memref<10112x128xf32, #tpu.memory_space<vmem_shared>> -> memref<10112x128xf32, #tpu.memory_space<vmem_shared>>
        tpu.wait_indirect_dma semaphore(%run_scoped3A : memref<!tpu.dma_semaphore, #tpu.memory_space<semaphore_mem>>) src(%arg9 : memref<80x128xf32, #tpu.memory_space<vmem>>) dst(%dma_wait3A_30 : memref<10112x128xf32, #tpu.memory_space<vmem_shared>>)
        tpu.yield
      }) : () -> ()
    }
    %scan3A_11 = arith.constant 125 : i32
    %barrier3A_12 = arith.constant 0 : index
    tpu.barrier barrier_id(%barrier3A_12)
    %mul3A_13 = arith.constant 632 : i32
    %mul3A_14 = arith.muli %arg1, %mul3A_13 : i32
    %mul3A_15 = arith.constant 632 : i32
    %mul3A_16 = arith.muli %arg1, %mul3A_15 : i32
    "tpu.region"() ({
      %run_scoped3A = tpu.sem_alloc : memref<!tpu.dma_semaphore, #tpu.memory_space<semaphore_mem>>
      %dma_start3A = arith.constant 0 : i32
      %dma_start3A_17 = tpu.memref_slice %arg6[%arg0, %mul3A_16, %dma_start3A] : memref<2x10112x128xf32, #tpu.memory_space<hbm>> -> memref<1x632x128xf32, #tpu.memory_space<hbm>>
      %dma_start3A_18 = tpu.memref_squeeze %dma_start3A_17 : memref<1x632x128xf32, #tpu.memory_space<hbm>> -> memref<632x128xf32, #tpu.memory_space<hbm>>
      %dma_start3A_19 = arith.constant 0 : i32
      %dma_start3A_20 = tpu.memref_slice %arg10[%mul3A_14, %dma_start3A_19] : memref<10112x128xf32, #tpu.memory_space<vmem_shared>> -> memref<632x128xf32, #tpu.memory_space<vmem_shared>>
      tpu.enqueue_dma source(%dma_start3A_20 : memref<632x128xf32, #tpu.memory_space<vmem_shared>>) target(%dma_start3A_18 : memref<632x128xf32, #tpu.memory_space<hbm>>) target_semaphore(%run_scoped3A : memref<!tpu.dma_semaphore, #tpu.memory_space<semaphore_mem>>)
      %dma_wait3A = arith.constant 0 : i32
      %dma_wait3A_21 = tpu.memref_slice %arg6[%arg0, %mul3A_16, %dma_wait3A] : memref<2x10112x128xf32, #tpu.memory_space<hbm>> -> memref<1x632x128xf32, #tpu.memory_space<hbm>>
      %dma_wait3A_22 = tpu.memref_squeeze %dma_wait3A_21 : memref<1x632x128xf32, #tpu.memory_space<hbm>> -> memref<632x128xf32, #tpu.memory_space<hbm>>
      %dma_wait3A_23 = arith.constant 0 : i32
      %dma_wait3A_24 = tpu.memref_slice %arg10[%mul3A_14, %dma_wait3A_23] : memref<10112x128xf32, #tpu.memory_space<vmem_shared>> -> memref<632x128xf32, #tpu.memory_space<vmem_shared>>
      tpu.wait_dma2 semaphore(%run_scoped3A : memref<!tpu.dma_semaphore, #tpu.memory_space<semaphore_mem>>) src(%dma_wait3A_24 : memref<632x128xf32, #tpu.memory_space<vmem_shared>>) dst(%dma_wait3A_22 : memref<632x128xf32, #tpu.memory_space<hbm>>)
      tpu.yield
    }) : () -> ()
    return
  }
}

module attributes {stable_mosaic.version = 14 : i64} {
  func.func @body(%arg0: i32, %arg1: memref<1000x128xf32, #tpu.memory_space<vmem>>, %arg2: memref<128x128xf32, #tpu.memory_space<vmem>>, %arg3: memref<1x128xf32, #tpu.memory_space<vmem>>, %arg4: memref<2x1000x16xf32, #tpu.memory_space<vmem>>, %arg5: memref<1000x128xf32, #tpu.memory_space<vmem>>) attributes {dimension_semantics = [#tpu.dimension_semantics<arbitrary>], iteration_bounds = array<i64: 10>, scalar_prefetch = 0 : i64, scratch_operands = 0 : i64, tpu.core_type = #tpu.core_type<tc>, window_params = [{transform_indices = @transform_0, window_bounds = array<i64: 1000, 128>}, {pipeline_mode = #tpu.pipeline_mode<synchronous>, transform_indices = @transform_1, window_bounds = array<i64: 128, 128>}, {pipeline_mode = #tpu.pipeline_mode<synchronous>, transform_indices = @transform_2, window_bounds = array<i64: 1, 128>}, {transform_indices = @transform_3, window_bounds = array<i64: 2, 1000, 16>}, {transform_indices = @transform_4, window_bounds = array<i64: 1000, 128>}]} {
    %get3A = arith.constant 0 : index
    %get3A_0 = arith.constant 0 : index
    %get3A_1 = arith.constant 0 : index
    %get3A_2 = vector.load %arg4[%get3A, %get3A_0, %get3A_1] : memref<2x1000x16xf32, #tpu.memory_space<vmem>>, vector<1x1000x16xf32>
    %get3A_3 = vector.shape_cast %get3A_2 : vector<1x1000x16xf32> to vector<1000x16xf32>
    %slice3A = vector.extract_strided_slice %get3A_3 {offsets = [0, 0], sizes = [1000, 1], strides = [1, 1]} : vector<1000x16xf32> to vector<1000x1xf32>
    %get3A_4 = arith.constant 1 : index
    %get3A_5 = arith.constant 0 : index
    %get3A_6 = arith.constant 0 : index
    %get3A_7 = vector.load %arg4[%get3A_4, %get3A_5, %get3A_6] : memref<2x1000x16xf32, #tpu.memory_space<vmem>>, vector<1x1000x16xf32>
    %get3A_8 = vector.shape_cast %get3A_7 : vector<1x1000x16xf32> to vector<1000x16xf32>
    %slice3A_9 = vector.extract_strided_slice %get3A_8 {offsets = [0, 0], sizes = [1000, 1], strides = [1, 1]} : vector<1000x16xf32> to vector<1000x1xf32>
    %add3A = arith.addf %slice3A, %slice3A_9 : vector<1000x1xf32>
    %gt3A = arith.constant 0.000000e+00 : f32
    %gt3A_10 = vector.broadcast %gt3A : f32 to vector<1000x1xf32>
    %gt3A_11 = arith.cmpf ogt, %add3A, %gt3A_10 : vector<1000x1xf32>
    %max3A = arith.constant 1.000000e+00 : f32
    %max3A_12 = vector.broadcast %max3A : f32 to vector<1000x1xf32>
    %max3A_13 = arith.maximumf %add3A, %max3A_12 : vector<1000x1xf32>
    %rsqrt3A = math.rsqrt %max3A_13 : vector<1000x1xf32>
    %jit3A = arith.constant 0.000000e+00 : f32
    %broadcast_in_dim3A = vector.broadcast %jit3A : f32 to vector<1000x1xf32>
    %select_n3A = arith.select %gt3A_11, %rsqrt3A, %broadcast_in_dim3A : vector<1000x1xi1>, vector<1000x1xf32>
    %get3A_14 = arith.constant 0 : index
    %get3A_15 = arith.constant 0 : index
    %get3A_16 = vector.load %arg1[%get3A_14, %get3A_15] : memref<1000x128xf32, #tpu.memory_space<vmem>>, vector<1000x128xf32>
    %get3A_17 = arith.constant 0 : index
    %get3A_18 = arith.constant 0 : index
    %get3A_19 = vector.load %arg2[%get3A_17, %get3A_18] : memref<128x128xf32, #tpu.memory_space<vmem>>, vector<128x128xf32>
    %dot_general3A = arith.constant dense<0.000000e+00> : vector<1000x128xf32>
    %dot_general3A_20 = tpu.matmul %get3A_16, %get3A_19, %dot_general3A {dimension_numbers = #tpu.dot_dimension_numbers<[1], [0], [0], [1], [0, 0, 1, 1], [], []>, transpose_lhs_hint = false} : vector<1000x128xf32>, vector<128x128xf32>, vector<1000x128xf32> -> vector<1000x128xf32>
    %get3A_21 = arith.constant 0 : index
    %get3A_22 = arith.constant 0 : index
    %get3A_23 = vector.load %arg3[%get3A_21, %get3A_22] : memref<1x128xf32, #tpu.memory_space<vmem>>, vector<1x128xf32>
    %add3A_24 = vector.broadcast %get3A_23 : vector<1x128xf32> to vector<1000x128xf32>
    %add3A_25 = arith.addf %dot_general3A_20, %add3A_24 : vector<1000x128xf32>
    %mul3A = vector.broadcast %select_n3A : vector<1000x1xf32> to vector<1000x128xf32>
    %mul3A_26 = arith.mulf %add3A_25, %mul3A : vector<1000x128xf32>
    %swap3A = arith.constant 0 : index
    %swap3A_27 = arith.constant 0 : index
    %swap3A_28 = vector.load %arg5[%swap3A, %swap3A_27] : memref<1000x128xf32, #tpu.memory_space<vmem>>, vector<1000x128xf32>
    tpu.vector_store %arg5[%swap3A, %swap3A_27], %mul3A_26 {strides = array<i32>} : memref<1000x128xf32, #tpu.memory_space<vmem>>, vector<1000x128xf32>,
    return
  }
  func.func @transform_0(%arg0: i32) -> (i32, i32) {
    %c0_i32 = arith.constant 0 : i32
    %c0_i32_0 = arith.constant 0 : i32
    return %arg0, %c0_i32 : i32, i32
  }
  func.func @transform_1(%arg0: i32) -> (i32, i32) {
    %c0_i32 = arith.constant 0 : i32
    %c0_i32_0 = arith.constant 0 : i32
    %c0_i32_1 = arith.constant 0 : i32
    return %c0_i32, %c0_i32_0 : i32, i32
  }
  func.func @transform_2(%arg0: i32) -> (i32, i32) {
    %c0_i32 = arith.constant 0 : i32
    %c0_i32_0 = arith.constant 0 : i32
    %c0_i32_1 = arith.constant 0 : i32
    return %c0_i32, %c0_i32_0 : i32, i32
  }
  func.func @transform_3(%arg0: i32) -> (i32, i32, i32) {
    %c0_i32 = arith.constant 0 : i32
    %c0_i32_0 = arith.constant 0 : i32
    %c0_i32_1 = arith.constant 0 : i32
    return %c0_i32, %arg0, %c0_i32_0 : i32, i32, i32
  }
  func.func @transform_4(%arg0: i32) -> (i32, i32) {
    %c0_i32 = arith.constant 0 : i32
    %c0_i32_0 = arith.constant 0 : i32
    return %arg0, %c0_i32 : i32, i32
  }
}

module attributes {stable_mosaic.version = 14 : i64} {
  func.func @body(%arg0: i32, %arg1: memref<2x1000x128xf32, #tpu.memory_space<vmem>>, %arg2: memref<2x1000x16xf32, #tpu.memory_space<vmem>>, %arg3: memref<128x128xf32, #tpu.memory_space<vmem>>, %arg4: memref<1x128xf32, #tpu.memory_space<vmem>>, %arg5: memref<1000x128xf32, #tpu.memory_space<vmem>>) attributes {dimension_semantics = [#tpu.dimension_semantics<arbitrary>], iteration_bounds = array<i64: 10>, scalar_prefetch = 0 : i64, scratch_operands = 0 : i64, tpu.core_type = #tpu.core_type<tc>, window_params = [{transform_indices = @transform_0, window_bounds = array<i64: 2, 1000, 128>}, {transform_indices = @transform_1, window_bounds = array<i64: 2, 1000, 16>}, {pipeline_mode = #tpu.pipeline_mode<synchronous>, transform_indices = @transform_2, window_bounds = array<i64: 128, 128>}, {pipeline_mode = #tpu.pipeline_mode<synchronous>, transform_indices = @transform_3, window_bounds = array<i64: 1, 128>}, {transform_indices = @transform_4, window_bounds = array<i64: 1000, 128>}]} {
    %get3A = arith.constant 0 : index
    %get3A_0 = arith.constant 0 : index
    %get3A_1 = arith.constant 0 : index
    %get3A_2 = vector.load %arg2[%get3A, %get3A_0, %get3A_1] : memref<2x1000x16xf32, #tpu.memory_space<vmem>>, vector<1x1000x16xf32>
    %get3A_3 = vector.shape_cast %get3A_2 : vector<1x1000x16xf32> to vector<1000x16xf32>
    %slice3A = vector.extract_strided_slice %get3A_3 {offsets = [0, 0], sizes = [1000, 1], strides = [1, 1]} : vector<1000x16xf32> to vector<1000x1xf32>
    %get3A_4 = arith.constant 1 : index
    %get3A_5 = arith.constant 0 : index
    %get3A_6 = arith.constant 0 : index
    %get3A_7 = vector.load %arg2[%get3A_4, %get3A_5, %get3A_6] : memref<2x1000x16xf32, #tpu.memory_space<vmem>>, vector<1x1000x16xf32>
    %get3A_8 = vector.shape_cast %get3A_7 : vector<1x1000x16xf32> to vector<1000x16xf32>
    %slice3A_9 = vector.extract_strided_slice %get3A_8 {offsets = [0, 0], sizes = [1000, 1], strides = [1, 1]} : vector<1000x16xf32> to vector<1000x1xf32>
    %add3A = arith.addf %slice3A, %slice3A_9 : vector<1000x1xf32>
    %gt3A = arith.constant 0.000000e+00 : f32
    %gt3A_10 = vector.broadcast %gt3A : f32 to vector<1000x1xf32>
    %gt3A_11 = arith.cmpf ogt, %add3A, %gt3A_10 : vector<1000x1xf32>
    %max3A = arith.constant 1.000000e+00 : f32
    %max3A_12 = vector.broadcast %max3A : f32 to vector<1000x1xf32>
    %max3A_13 = arith.maximumf %add3A, %max3A_12 : vector<1000x1xf32>
    %rsqrt3A = math.rsqrt %max3A_13 : vector<1000x1xf32>
    %jit3A = arith.constant 0.000000e+00 : f32
    %broadcast_in_dim3A = vector.broadcast %jit3A : f32 to vector<1000x1xf32>
    %select_n3A = arith.select %gt3A_11, %rsqrt3A, %broadcast_in_dim3A : vector<1000x1xi1>, vector<1000x1xf32>
    %get3A_14 = arith.constant 0 : index
    %get3A_15 = arith.constant 0 : index
    %get3A_16 = arith.constant 0 : index
    %get3A_17 = vector.load %arg1[%get3A_14, %get3A_15, %get3A_16] : memref<2x1000x128xf32, #tpu.memory_space<vmem>>, vector<1x1000x128xf32>
    %get3A_18 = vector.shape_cast %get3A_17 : vector<1x1000x128xf32> to vector<1000x128xf32>
    %get3A_19 = arith.constant 1 : index
    %get3A_20 = arith.constant 0 : index
    %get3A_21 = arith.constant 0 : index
    %get3A_22 = vector.load %arg1[%get3A_19, %get3A_20, %get3A_21] : memref<2x1000x128xf32, #tpu.memory_space<vmem>>, vector<1x1000x128xf32>
    %get3A_23 = vector.shape_cast %get3A_22 : vector<1x1000x128xf32> to vector<1000x128xf32>
    %add3A_24 = arith.addf %get3A_18, %get3A_23 : vector<1000x128xf32>
    %mul3A = vector.broadcast %select_n3A : vector<1000x1xf32> to vector<1000x128xf32>
    %mul3A_25 = arith.mulf %add3A_24, %mul3A : vector<1000x128xf32>
    %max3A_26 = arith.constant 0.000000e+00 : f32
    %max3A_27 = vector.broadcast %max3A_26 : f32 to vector<1000x128xf32>
    %max3A_28 = arith.maximumf %mul3A_25, %max3A_27 : vector<1000x128xf32>
    %get3A_29 = arith.constant 0 : index
    %get3A_30 = arith.constant 0 : index
    %get3A_31 = vector.load %arg3[%get3A_29, %get3A_30] : memref<128x128xf32, #tpu.memory_space<vmem>>, vector<128x128xf32>
    %dot_general3A = arith.constant dense<0.000000e+00> : vector<1000x128xf32>
    %dot_general3A_32 = tpu.matmul %max3A_28, %get3A_31, %dot_general3A {dimension_numbers = #tpu.dot_dimension_numbers<[1], [0], [0], [1], [0, 0, 1, 1], [], []>, transpose_lhs_hint = false} : vector<1000x128xf32>, vector<128x128xf32>, vector<1000x128xf32> -> vector<1000x128xf32>
    %get3A_33 = arith.constant 0 : index
    %get3A_34 = arith.constant 0 : index
    %get3A_35 = vector.load %arg4[%get3A_33, %get3A_34] : memref<1x128xf32, #tpu.memory_space<vmem>>, vector<1x128xf32>
    %add3A_36 = vector.broadcast %get3A_35 : vector<1x128xf32> to vector<1000x128xf32>
    %add3A_37 = arith.addf %dot_general3A_32, %add3A_36 : vector<1000x128xf32>
    %mul3A_38 = vector.broadcast %select_n3A : vector<1000x1xf32> to vector<1000x128xf32>
    %mul3A_39 = arith.mulf %add3A_37, %mul3A_38 : vector<1000x128xf32>
    %swap3A = arith.constant 0 : index
    %swap3A_40 = arith.constant 0 : index
    %swap3A_41 = vector.load %arg5[%swap3A, %swap3A_40] : memref<1000x128xf32, #tpu.memory_space<vmem>>, vector<1000x128xf32>
    tpu.vector_store %arg5[%swap3A, %swap3A_40], %mul3A_39 {strides = array<i32>} : memref<1000x128xf32, #tpu.memory_space<vmem>>, vector<1000x128xf32>,
    return
  }
  func.func @transform_0(%arg0: i32) -> (i32, i32, i32) {
    %c0_i32 = arith.constant 0 : i32
    %c0_i32_0 = arith.constant 0 : i32
    %c0_i32_1 = arith.constant 0 : i32
    return %c0_i32, %arg0, %c0_i32_0 : i32, i32, i32
  }
  func.func @transform_1(%arg0: i32) -> (i32, i32, i32) {
    %c0_i32 = arith.constant 0 : i32
    %c0_i32_0 = arith.constant 0 : i32
    %c0_i32_1 = arith.constant 0 : i32
    return %c0_i32, %arg0, %c0_i32_0 : i32, i32, i32
  }
  func.func @transform_2(%arg0: i32) -> (i32, i32) {
    %c0_i32 = arith.constant 0 : i32
    %c0_i32_0 = arith.constant 0 : i32
    %c0_i32_1 = arith.constant 0 : i32
    return %c0_i32, %c0_i32_0 : i32, i32
  }
  func.func @transform_3(%arg0: i32) -> (i32, i32) {
    %c0_i32 = arith.constant 0 : i32
    %c0_i32_0 = arith.constant 0 : i32
    %c0_i32_1 = arith.constant 0 : i32
    return %c0_i32, %c0_i32_0 : i32, i32
  }
  func.func @transform_4(%arg0: i32) -> (i32, i32) {
    %c0_i32 = arith.constant 0 : i32
    %c0_i32_0 = arith.constant 0 : i32
    return %arg0, %c0_i32 : i32, i32
  }
}

module attributes {stable_mosaic.version = 14 : i64} {
  func.func @body(%arg0: i32, %arg1: memref<2x1000x128xf32, #tpu.memory_space<vmem>>, %arg2: memref<2x1000x16xf32, #tpu.memory_space<vmem>>, %arg3: memref<1000x128xf32, #tpu.memory_space<vmem>>) attributes {dimension_semantics = [#tpu.dimension_semantics<arbitrary>], iteration_bounds = array<i64: 10>, scalar_prefetch = 0 : i64, scratch_operands = 0 : i64, tpu.core_type = #tpu.core_type<tc>, window_params = [{transform_indices = @transform_0, window_bounds = array<i64: 2, 1000, 128>}, {transform_indices = @transform_1, window_bounds = array<i64: 2, 1000, 16>}, {transform_indices = @transform_2, window_bounds = array<i64: 1000, 128>}]} {
    %get3A = arith.constant 0 : index
    %get3A_0 = arith.constant 0 : index
    %get3A_1 = arith.constant 0 : index
    %get3A_2 = vector.load %arg2[%get3A, %get3A_0, %get3A_1] : memref<2x1000x16xf32, #tpu.memory_space<vmem>>, vector<1x1000x16xf32>
    %get3A_3 = vector.shape_cast %get3A_2 : vector<1x1000x16xf32> to vector<1000x16xf32>
    %slice3A = vector.extract_strided_slice %get3A_3 {offsets = [0, 0], sizes = [1000, 1], strides = [1, 1]} : vector<1000x16xf32> to vector<1000x1xf32>
    %get3A_4 = arith.constant 1 : index
    %get3A_5 = arith.constant 0 : index
    %get3A_6 = arith.constant 0 : index
    %get3A_7 = vector.load %arg2[%get3A_4, %get3A_5, %get3A_6] : memref<2x1000x16xf32, #tpu.memory_space<vmem>>, vector<1x1000x16xf32>
    %get3A_8 = vector.shape_cast %get3A_7 : vector<1x1000x16xf32> to vector<1000x16xf32>
    %slice3A_9 = vector.extract_strided_slice %get3A_8 {offsets = [0, 0], sizes = [1000, 1], strides = [1, 1]} : vector<1000x16xf32> to vector<1000x1xf32>
    %add3A = arith.addf %slice3A, %slice3A_9 : vector<1000x1xf32>
    %gt3A = arith.constant 0.000000e+00 : f32
    %gt3A_10 = vector.broadcast %gt3A : f32 to vector<1000x1xf32>
    %gt3A_11 = arith.cmpf ogt, %add3A, %gt3A_10 : vector<1000x1xf32>
    %max3A = arith.constant 1.000000e+00 : f32
    %max3A_12 = vector.broadcast %max3A : f32 to vector<1000x1xf32>
    %max3A_13 = arith.maximumf %add3A, %max3A_12 : vector<1000x1xf32>
    %rsqrt3A = math.rsqrt %max3A_13 : vector<1000x1xf32>
    %jit3A = arith.constant 0.000000e+00 : f32
    %broadcast_in_dim3A = vector.broadcast %jit3A : f32 to vector<1000x1xf32>
    %select_n3A = arith.select %gt3A_11, %rsqrt3A, %broadcast_in_dim3A : vector<1000x1xi1>, vector<1000x1xf32>
    %get3A_14 = arith.constant 0 : index
    %get3A_15 = arith.constant 0 : index
    %get3A_16 = arith.constant 0 : index
    %get3A_17 = vector.load %arg1[%get3A_14, %get3A_15, %get3A_16] : memref<2x1000x128xf32, #tpu.memory_space<vmem>>, vector<1x1000x128xf32>
    %get3A_18 = vector.shape_cast %get3A_17 : vector<1x1000x128xf32> to vector<1000x128xf32>
    %get3A_19 = arith.constant 1 : index
    %get3A_20 = arith.constant 0 : index
    %get3A_21 = arith.constant 0 : index
    %get3A_22 = vector.load %arg1[%get3A_19, %get3A_20, %get3A_21] : memref<2x1000x128xf32, #tpu.memory_space<vmem>>, vector<1x1000x128xf32>
    %get3A_23 = vector.shape_cast %get3A_22 : vector<1x1000x128xf32> to vector<1000x128xf32>
    %add3A_24 = arith.addf %get3A_18, %get3A_23 : vector<1000x128xf32>
    %mul3A = vector.broadcast %select_n3A : vector<1000x1xf32> to vector<1000x128xf32>
    %mul3A_25 = arith.mulf %add3A_24, %mul3A : vector<1000x128xf32>
    %swap3A = arith.constant 0 : index
    %swap3A_26 = arith.constant 0 : index
    %swap3A_27 = vector.load %arg3[%swap3A, %swap3A_26] : memref<1000x128xf32, #tpu.memory_space<vmem>>, vector<1000x128xf32>
    tpu.vector_store %arg3[%swap3A, %swap3A_26], %mul3A_25 {strides = array<i32>} : memref<1000x128xf32, #tpu.memory_space<vmem>>, vector<1000x128xf32>,
    return
  }
  func.func @transform_0(%arg0: i32) -> (i32, i32, i32) {
    %c0_i32 = arith.constant 0 : i32
    %c0_i32_0 = arith.constant 0 : i32
    %c0_i32_1 = arith.constant 0 : i32
    return %c0_i32, %arg0, %c0_i32_0 : i32, i32, i32
  }
  func.func @transform_1(%arg0: i32) -> (i32, i32, i32) {
    %c0_i32 = arith.constant 0 : i32
    %c0_i32_0 = arith.constant 0 : i32
    %c0_i32_1 = arith.constant 0 : i32
    return %c0_i32, %arg0, %c0_i32_0 : i32, i32, i32
  }
  func.func @transform_2(%arg0: i32) -> (i32, i32) {
    %c0_i32 = arith.constant 0 : i32
    %c0_i32_0 = arith.constant 0 : i32
    return %arg0, %c0_i32 : i32, i32
  }
}

</mosaic_0001>

<sc_bundles>
// kernel: kernel.11.cloned.1.call-start
scs
__scs_entry_jumppad:
0x0: {  	(pc) =	sbr.rel $0x88, $3  }
0x1: {  	(tag) =	ssettag $0x0;
	lr =	simm.s32 $0x1  }
0x2: {  	[smem:$0x3F9B] =	sst lr;
	_ =	strace $0xD0000000  }
0x3: {  	_ = 	snop  }
0x4: {  	_ = 	snop  }
0x5: {  	_ = 	snop  }
0x6: {  	_ = 	snop  }
0x7: {  	_ = 	snop  }
__scs_overlays_trampoline_lowered:
0x8: {  	[smem:$0x3FAA] =	sst s0  }
0x9: {  	[smem:$0x3FAB] =	sst s1  }
0xa: {  	[smem:$0x3FAC] =	sst s2  }
0xb: {  	[smem:$0x3FAD] =	sst s3  }
0xc: {  	[smem:$0x3FAE] =	sst s4  }
0xd: {  	[smem:$0x3FAF] =	sst s5  }
0xe: {  	[smem:$0x3FB0] =	sst s6  }
0xf: {  	[smem:$0x3FB1] =	sst s7  }
0x10: {  	[smem:$0x3FB2] =	sst s8  }
0x11: {  	[smem:$0x3FB3] =	sst s9;
	s0 =	simm.s32 @!p0 $0x0  }
0x12: {  	s1 =	sld [smem:$0x3F99];
	s0 =	simm.s32 @p0 $0x1  }
0x13: {  	[smem:$0x3FB4] =	sst s0;
	s0 =	simm.s32 @!p1 $0x0  }
0x14: {  	s2 =	sld [smem:$0x3F98];
	s0 =	simm.s32 @p1 $0x1  }
0x15: {  	[smem:$0x3FB5] =	sst s0;
	s0 =	simm.s32 @!p2 $0x0  }
0x16: {  	s3 =	sld [smem:$0x3FDB];
	s0 =	simm.s32 @p2 $0x1  }
0x17: {  	s4 =	simm.s32 $0x1BF5;
	[smem:$0x3FB7] =	sst s0  }
0x18: {  	s0 =	sld [smem:$0x3F9A];
	_ =	swait.ge [sflag:s4], $0x0  }
0x19: {  	s7 =	sld [smem:$0x3F9B]  }
0x1a: {  	s8 =	sadd.s32 $0xFFFFE003, lr  }
0x1b: {  	s9 =	sadd.s32 $0xFFFFFEF7, lr;
	s5 =	simm.s32 $0xFFFFFFFF;
	p2 =	slt.u32 s8, $0xFFFFF086  }
0x1c: {  	p1 =	slt.u32 s9, $0xF7A;
	s5 =	simm.s32 @!p2 $0x0  }
0x1d: {  	s5 =	simm.s32 @p1 $0x1;
	p0 =	seq.s32 s7, s2  }
0x1e: {  	s7 =	smul.u32 @!p0 $0xF7A, s2;
	p2 =	seq.s32 @!p0 s5, $0x0  }
0x1f: {  	s9 =	smul.u32 $0xF7A, s1;
	s8 =	simm.s32 @!p0 $0x1BF5;
	p2 =	por !p2, p0  }
0x20: {  	[sflag:s8] =	ssyncset.s32 @!p0 $0xFFFFF086;
	s6 =	sadd.s32 @!p0 s3, s7;
	s7 =	simm.s32 @!p0 $0x108  }
0x21: {  	s3 =	sadd.s32 s3, s9;
	s6 =	sadd.s32 @!p0 $0x88, s6;
	s7 =	simm.s32 @p2 $0x1082  }
0x22: {  	[simem:s7], [sflag:s8] =	dma.local @!p0 [hbm:s6], $0xF7A  }
0x23: {  	s9 =	sor.u32 $0xD0000000, s2;
	s6 =	simm.s32 $0x108;
	_ =	swait.ge @!p0 [sflag:s8], $0x0  }
0x24: {  	s3 =	sadd.s32 $0x88, s3;
	s6 =	simm.s32 @!p1 $0x1082;
	[sflag:s4] =	ssyncset.s32 $0xFFFFF086  }
0x25: {  	[simem:s6], [sflag:s4] =	dma.local [hbm:s3], $0xF7A  }
0x26: {  	[smem:$0x3F9B] =	sst s1;
	(tag) =	ssettag s2;
	_ =	strace s9  }
0x27: {  	s1 =	sld [smem:$0x3FAB]  }
0x28: {  	s2 =	sld [smem:$0x3FAC]  }
0x29: {  	s4 =	sld [smem:$0x3FAE]  }
0x2a: {  	p0 =	seq.s32 s5, $0x0;
	s5 =	sld [smem:$0x3FAF]  }
0x2b: {  	s6 =	sld [smem:$0x3FB0]  }
0x2c: {  	s7 =	sld [smem:$0x3FB1]  }
0x2d: {  	s3 =	simm.s32 $0x108;
	s8 =	sld [smem:$0x3FB2]  }
0x2e: {  	s3 =	simm.s32 @!p0 $0x1082;
	s9 =	sld [smem:$0x3FB3]  }
0x2f: {  	lr =	sadd.s32 s0, s3;
	s0 =	sld [smem:$0x3FAA]  }
0x30: {  	s3 =	sld [smem:$0x3FAD]  }
0x31: {  	[smem:$0x3FB6] =	sst s10  }
0x32: {  	s10 =	sld [smem:$0x3FB4];
	_ =	sdelay $0x3  }
0x33: {  	p0 =	seq.s32 s10, $0x1;
	s10 =	sld [smem:$0x3FB6];
	_ =	sdelay $0x3  }
0x34: {  	[smem:$0x3FB6] =	sst s10  }
0x35: {  	s10 =	sld [smem:$0x3FB5];
	_ =	sdelay $0x3  }
0x36: {  	p1 =	seq.s32 s10, $0x1;
	s10 =	sld [smem:$0x3FB6];
	_ =	sdelay $0x3  }
0x37: {  	[smem:$0x3FB6] =	sst s10  }
0x38: {  	s10 =	sld [smem:$0x3FB7]  }
0x39: {  	_ = 	snop;
	(pc) =	sbr.ind lr, $3  }
0x3a: {  	_ = 	snop  }
0x3b: {  	_ = 	snop  }
0x3c: {  	p2 =	seq.s32 s10, $0x1;
	s10 =	sld [smem:$0x3FB6]  }
0x3d: {  	_ =	shalt  }
0x3e: {  	_ =	shalt  }
0x3f: {  	_ =	shalt  }
0x40: {  	_ =	shalt  }
0x41: {  	_ =	shalt  }
0x42: {  	_ =	shalt  }
0x43: {  	_ =	shalt  }
0x44: {  	_ =	shalt  }
0x45: {  	_ =	shalt  }
0x46: {  	_ =	shalt  }
0x47: {  	_ =	shalt  }
0x48: {  	_ =	shalt  }
0x49: {  	_ =	shalt  }
0x4a: {  	_ =	shalt  }
0x4b: {  	_ =	shalt  }
0x4c: {  	_ =	shalt  }
0x4d: {  	_ =	shalt  }
0x4e: {  	_ =	shalt  }
0x4f: {  	_ =	shalt  }
0x50: {  	_ =	shalt  }
0x51: {  	_ =	shalt  }
0x52: {  	_ =	shalt  }
0x53: {  	_ =	shalt  }
0x54: {  	_ =	shalt  }
0x55: {  	_ =	shalt  }
0x56: {  	_ =	shalt  }
0x57: {  	_ =	shalt  }
0x58: {  	_ =	shalt  }
0x59: {  	_ =	shalt  }
0x5a: {  	_ =	shalt  }
0x5b: {  	_ =	shalt  }
0x5c: {  	_ =	shalt  }
0x5d: {  	_ =	shalt  }
0x5e: {  	_ =	shalt  }
0x5f: {  	_ =	shalt  }
0x60: {  	_ =	shalt  }
0x61: {  	_ =	shalt  }
0x62: {  	_ =	shalt  }
0x63: {  	_ =	shalt  }
0x64: {  	_ =	shalt  }
0x65: {  	_ =	shalt  }
0x66: {  	_ =	shalt  }
0x67: {  	_ =	shalt  }
0x68: {  	_ =	shalt  }
0x69: {  	_ =	shalt  }
0x6a: {  	_ =	shalt  }
0x6b: {  	_ =	shalt  }
0x6c: {  	_ =	shalt  }
0x6d: {  	_ =	shalt  }
0x6e: {  	_ =	shalt  }
0x6f: {  	_ =	shalt  }
0x70: {  	_ =	shalt  }
0x71: {  	_ =	shalt  }
0x72: {  	_ =	shalt  }
0x73: {  	_ =	shalt  }
0x74: {  	_ =	shalt  }
0x75: {  	_ =	shalt  }
0x76: {  	_ =	shalt  }
0x77: {  	_ =	shalt  }
0x78: {  	_ =	shalt  }
0x79: {  	_ =	shalt  }
0x7a: {  	_ =	shalt  }
0x7b: {  	_ =	shalt  }
0x7c: {  	_ =	shalt  }
0x7d: {  	_ =	shalt  }
0x7e: {  	_ =	shalt  }
0x7f: {  	_ =	shalt  }
0x80: {  	_ =	shalt  }
0x81: {  	_ =	shalt  }
0x82: {  	_ =	shalt  }
0x83: {  	_ =	shalt  }
0x84: {  	_ =	shalt  }
0x85: {  	_ =	shalt  }
0x86: {  	_ =	shalt  }
0x87: {  	_ =	shalt  }
.Lfunc_end0:
.L_simem_size_0:
called_computation.1_lowered:
.L_overlay_start_0:
0x88: {  	s2 =	sld [smem:$0x3FD9]  }
0x89: {  	s3 =	sld [smem:$0x3FFE];
	_ =	sdelay $0x1  }
0x8a: {  	s1 =	srdreg.scid  }
0x8b: {  	s0 =	sand.u32 $0x1, s1  }
0x8c: {  	s17 =	sshll.u32 s0, $0xA;
	s2 =	sadd.s32 s3, s2  }
0x8d: {  	s2 =	sadd.s32 s2, s17  }
0x8e: {  	[smem:$0x3FC2] =	sst s2  }
0x8f: {  	_ = 	snop  }
0x90: {  	s2 =	sld [smem:$0x3FD0];
	(tm) =	ssettm $0x1  }
0x91: {  	s18 =	sld [smem:$0x3FFB];
	_ =	sdelay $0x3  }
0x92: {  	_ =	strace s18  }
0x93: {  	s3 =	sld [smem:$0x3FFC];
	_ =	sdelay $0x3  }
0x94: {  	_ =	strace s3  }
0x95: {  	s3 =	sld [smem:$0x3FFD];
	_ =	sdelay $0x3  }
0x96: {  	_ =	strace s3  }
0x97: {  	_ =	strace $0x8FFFFFFF  }
0x98: {  	s19 =	sld [smem:$0x3FDB];
	_ =	sdelay $0x1  }
0x99: {  	s4 =	simm.s32 $_scs_section_size  }
0x9a: {  	s5 =	simm.s32 $_size__tile_overlayer_lowered;
	s6 =	simm.s32 $_tile_overlayer_lowered  }
0x9b: {  	s22 =	simm.s32 $0x1BFF;
	s21 =	sshll.u32 s6, $0x1;
	s3 =	sadd.s32 s4, s19  }
0x9c: {  	s7 =	simm.s32 $0x0;
	s20 =	sshll.u32 s5, $0x1;
	s5 =	sadd.s32 s21, s3  }
0x9d: {  	[timem:s7], [sflag:s22] =	dma.local [hbm:s5], s20  }
0x9e: {  	_ =	swait.ge [sflag:s22], s20  }
0x9f: {  	s4 =	ssub.s32 $0x0, s20;
	[sflag:s22] =	ssyncset.done $0x0  }
0xa0: {  	[sflag:s22] =	ssyncadd.s32 s4;
	_ =	sdelay $0x1  }
0xa1: {  	s23 =	simm.s32 $0x1B8B  }
0xa2: {  	_ =	swait.ge [sflag:s23], $0x1  }
0xa3: {  	[sflag:s23] =	ssyncset.done $0x0  }
0xa4: {  	s25 =	simm.s32 $0x1B8E;
	s24 =	sld [smem:$0x3FFE];
	[sflag:s23] =	ssyncadd.s32 $0xFFFFFFFF  }
0xa5: {  	s26 =	simm.s32 $execute0_lowered;
	[smem:$0x3FD2] =	sst s25  }
0xa6: {  	s5 =	sshll.u32 s26, $0x1;
	_ =	strace $0x80000049;
	[dreg:$0x1] =	wrdreg $0xFFFFFFFF  }
0xa7: {  	s28 =	simm.s32 $_size_execute0_lowered;
	s3 =	sadd.s32 s3, s5;
	[dreg:$0x0] =	wrdreg $0x0  }
0xa8: {  	s5 =	sshll.u32 s28, $0x1;
	[dreg:$0x2] =	wrdreg s3  }
0xa9: {  	[dreg:$0x3] =	wrdreg s5  }
0xaa: {  	[dreg:$0x4] =	wrdreg $0xC0  }
0xab: {  	_ =	task [dreg:s7], $0x5FFFF  }
0xac: {  	[dreg:$0x1] =	wrdreg $0xFFFFFFFF  }
0xad: {  	[dreg:$0x0] =	wrdreg $0x60  }
0xae: {  	[dreg:$0x2] =	wrdreg s2  }
0xaf: {  	[dreg:$0x3] =	wrdreg s24  }
0xb0: {  	[dreg:$0x4] =	wrdreg $0x29000  }
0xb1: {  	[dreg:$0x5] =	wrdreg $0x9  }
0xb2: {  	_ =	task.clear_ibuf [dreg:s7], $0x6FFFF;
	_ =	strace $0x90000049  }
0xb3: {  	s29 =	simm.s32 $0x9;
	_ =	strace $0x8000004B  }
0xb4: {  	_ =	swait.ge [sflag:s29], $0x1  }
0xb5: {  	[sflag:s29] =	ssyncadd.s32 $0xFFFFFFFF  }
0xb6: {  	_ =	strace $0x9000004B  }
0xb7: {  	_ =	sfence  }
0xb8: {  	s30 =	sld [smem:$0x0];
	_ =	sdelay $0x2  }
0xb9: {  	s31 =	sshll.u32 s1, $0xD;
	s1 =	sshrl.u32 s1, $0x2  }
0xba: {  	s3 =	sand.u32 $0x4000, s31;
	s1 =	sadd.s32 s1, s30  }
0xbb: {  	s0 =	sor.u32 s3, s0;
	s1 =	sshll.u32 s1, $0x11  }
0xbc: {  	s0 =	sor.u32 s1, s0  }
0xbd: {  	s0 =	sadd.s32 $0x8F2B, s0  }
0xbe: {  	[sflag:s0] =	ssyncadd.remote.s32 $0x1  }
0xbf: {  	_ =	sfence.sel $0xFFFF  }
0xc0: {  	[dreg:$0x0] =	wrdreg $0xFFFFFFFF;
	(pc) =	sbr.abs _section_cstart, $3  }
0xc1: {  	[dreg:$0x1] =	wrdreg $0xFFFFFFFF  }
0xc2: {  	_ =	task.clear_ibuf [dreg:s7], $0x2FFFF;
	_ =	strace $0x9FFFFFFF  }
0xc3: {  	(tm) =	ssettm $0x7FFFFFFF  }
tec
execute0_lowered:
.L_overlay_start_1:
0x0: {  	(tag) =	ssettag $0x1  }
0x1: {  	s1 =	rddreg [dreg:$0x0]  }
0x2: {  	s2 =	srdreg.scid;
	s5 =	rddreg [dreg:$0x1]  }
0x3: {  	s0 =	stileid.u32;
	s3 =	rddreg [dreg:$0x2];
	s4 =	simm.s32 $0x0  }
0x4: {  	s13 =	simm.s32 $0x80;
	s14 =	simm.s32 $0x50;
	s7 =	smul.u32 $0x4E20, s0  }
0x5: {  	s15 =	simm.s32 $0x100;
	s16 =	simm.s32 $0x1;
	s26 =	smul.u32 $0x13C00, s0  }
0x6: {  	s6 =	sand.u32 $0x1, s2;
	s2 =	rddreg [dreg:$0x3];
	s29 =	smul.u32 $0x4F000, s0  }
0x7: {  	s17 =	simm.s32 $0x0;
	[smem:$0x7FF] =	sst s4;
	s8 =	smul.u32 $0x2710, s6  }
0x8: {  	s31 =	sshll.u32 s0, $0x6;
	s9 =	smul.u32 $0x13C000, s6;
	s6 =	ssub.s32 $0x2, s6  }
0x9: {  	_ =	strace $0x8000004A;
	s28 =	sshrl.u32 s26, $0x3;
	s11 =	sshrl.u32 s6, $0x1  }
0xa: {  	s30 =	sshrl.u32 s29, $0x2;
	s7 =	sadd.s32 s8, s7;
	s8 =	sadd.s32 s26, s9  }
0xb: {  	s11 =	ssub.s32 s6, s11;
	s12 =	sadd.s32 s30, s3;
	s7 =	sshrl.u32 s7, $0x3  }
0xc: {  	s8 =	sshrl.u32 s8, $0x3;
	s10 =	sadd.s32 s7, s5;
	s7 =	sadd.s32 s28, s5  }
0xd: {  	s6 =	sor.u32 $0x1C02, s31;
	s8 =	sadd.s32 s8, s5;
	s5 =	sadd.s32 $0x65600, s7  }
0xe: {  	s7 =	sadd.s32 $0x8CE00, s8;
	s8 =	smax.u32 s11, $0x1;
	s9 =	sadd.s32 $0x2A00, s10  }
0xf: {  	s10 =	sadd.s32 $0xC800, s10;
	s11 =	sshrl.u32 s12, $0x3;
	s12 =	simm.s32 $0x2  }
.LBB2_1:
0x10: {  	[spmem:s11], [sflag:s6] =	dma.local [hbm:s5], $0x2780  }
0x11: {  	_ =	swait.ge [sflag:s12], $0x2780  }
0x12: {  	[sflag:s12] =	ssyncset.done $0x0  }
0x13: {  	[sflag:s12] =	ssyncadd.s32 $0xFFFFD880  }
0x14: {  	s18 =	sadd.s32 $0x0, s10;
	[bflag:$0x0] =	sbarrier.arrive $0xFFFF  }
0x15: {  	[tilespmem:s4], [sflag:$0x2] =	stream.linear.gather [hbm4b:s18+s4], $0x50, $0x38;
	[tilespmem:$0x16500] =	vst v63  }
0x16: {  	_ =	swait.ge [sflag:s12], $0x50  }
0x17: {  	[sflag:s12] =	ssyncset.done $0x0  }
0x18: {  	s31 =	sadd.s32 $0x0, s9;
	[sflag:s12] =	ssyncadd.s32 $0xFFFFFFB0  }
0x19: {  	[tilespmem:s13], [sflag:$0x2] =	stream.linear.gather [hbm4b:s31+s4], $0x50, $0x38;
	[tilespmem:$0x16500] =	vst v63  }
0x1a: {  	_ =	swait.ge [sflag:s12], $0x50  }
0x1b: {  	[sflag:s12] =	ssyncset.done $0x0  }
0x1c: {  	[sflag:s12] =	ssyncadd.s32 $0xFFFFFFB0  }
0x1d: {  	[tilespmem:s15], [sflag:$0x1] =	stream.indirect.gather [hbm4b:s1+s14], $0x80, s4, s14, $0xb8;
	[tilespmem:$0x16500] =	vst v63  }
0x1e: {  	_ =	swait.ge [sflag:s16], $0x2800  }
0x1f: {  	[sflag:s16] =	ssyncset.done $0x0  }
0x20: {  	[sflag:s16] =	ssyncadd.s32 $0xFFFFD800  }
0x21: {  	[spmem:s3] =	stream.indirect.scatter.add.f32 [tilespmem:s15], [sflag:$0x2], $0x80, s13, s14, $0xb8;
	[tilespmem:$0x16500] =	vst v63  }
0x22: {  	_ =	swait.ge [sflag:s12], $0x2800  }
0x23: {  	s19 =	simm.s32 $0x14;
	s18 =	simm.s32 $0xA;
	[sflag:s12] =	ssyncset.done $0x0  }
.LBB2_2:
0x24: {  	s20 =	sadd.s32 s18, s10  }
0x25: {  	[sflag:s12] =	ssyncadd.s32 $0xFFFFD800;
	s21 =	smov.u32 s19;
	s22 =	sadd.s32 $0xA, s19  }
0x26: {  	[tilespmem:s4], [sflag:$0x2] =	stream.linear.gather [hbm4b:s20+s4], $0x50, $0x38;
	[tilespmem:$0x16500] =	vst v63  }
0x27: {  	p0 =	sne.s32 s19, $0x4D8;
	_ =	swait.ge [sflag:s12], $0x50  }
0x28: {  	[sflag:s12] =	ssyncset.done $0x0  }
0x29: {  	s19 =	sadd.s32 s18, s9;
	s18 =	smov.u32 s21;
	[sflag:s12] =	ssyncadd.s32 $0xFFFFFFB0  }
0x2a: {  	[tilespmem:s13], [sflag:$0x2] =	stream.linear.gather [hbm4b:s19+s4], $0x50, $0x38;
	[tilespmem:$0x16500] =	vst v63  }
0x2b: {  	_ =	swait.ge [sflag:s12], $0x50  }
0x2c: {  	[sflag:s12] =	ssyncset.done $0x0  }
0x2d: {  	[sflag:s12] =	ssyncadd.s32 $0xFFFFFFB0  }
0x2e: {  	[tilespmem:s15], [sflag:$0x1] =	stream.indirect.gather [hbm4b:s1+s14], $0x80, s4, s14, $0xb8;
	[tilespmem:$0x16500] =	vst v63  }
0x2f: {  	_ =	swait.ge [sflag:s16], $0x2800  }
.Ltmp0:
0x30: {  	[sflag:s16] =	ssyncset.done $0x0;
	(pc) =	sbr.rel @p0 .LBB2_2-.Ltmp0, $4  }
0x31: {  	[sflag:s16] =	ssyncadd.s32 $0xFFFFD800  }
0x32: {  	[spmem:s3] =	stream.indirect.scatter.add.f32 [tilespmem:s15], [sflag:$0x2], $0x80, s13, s14, $0xb8;
	[tilespmem:$0x16500] =	vst v63  }
0x33: {  	_ =	swait.ge [sflag:s12], $0x2800  }
0x34: {  	s19 =	smov.u32 s22;
	[sflag:s12] =	ssyncset.done $0x0  }
0x35: {  	s19 =	sadd.s32 s18, s10;
	[sflag:s12] =	ssyncadd.s32 $0xFFFFD800  }
0x36: {  	[tilespmem:s4], [sflag:$0x2] =	stream.linear.gather [hbm4b:s19+s4], $0x50, $0x38;
	[tilespmem:$0x16500] =	vst v63  }
0x37: {  	_ =	swait.ge [sflag:s12], $0x50  }
0x38: {  	[sflag:s12] =	ssyncset.done $0x0  }
0x39: {  	s31 =	sadd.s32 s18, s9;
	[sflag:s12] =	ssyncadd.s32 $0xFFFFFFB0  }
0x3a: {  	[tilespmem:s13], [sflag:$0x2] =	stream.linear.gather [hbm4b:s31+s4], $0x50, $0x38;
	[tilespmem:$0x16500] =	vst v63  }
0x3b: {  	_ =	swait.ge [sflag:s12], $0x50  }
0x3c: {  	[sflag:s12] =	ssyncset.done $0x0  }
0x3d: {  	[sflag:s12] =	ssyncadd.s32 $0xFFFFFFB0  }
0x3e: {  	[tilespmem:s15], [sflag:$0x1] =	stream.indirect.gather [hbm4b:s1+s14], $0x80, s4, s14, $0xb8;
	[tilespmem:$0x16500] =	vst v63  }
0x3f: {  	_ =	swait.ge [sflag:s16], $0x2800  }
0x40: {  	[sflag:s16] =	ssyncset.done $0x0  }
0x41: {  	[sflag:s16] =	ssyncadd.s32 $0xFFFFD800  }
0x42: {  	[spmem:s3] =	stream.indirect.scatter.add.f32 [tilespmem:s15], [sflag:$0x2], $0x80, s13, s14, $0xb8;
	[tilespmem:$0x16500] =	vst v63  }
0x43: {  	_ =	swait.ge [sflag:s12], $0x2800  }
0x44: {  	s17 =	sadd.s32 $0x1, s17;
	[sflag:s12] =	ssyncset.done $0x0  }
0x45: {  	p0 =	sne.s32 s17, s8;
	[sflag:s12] =	ssyncadd.s32 $0xFFFFD800  }
.Ltmp1:
0x46: {  	[bflag:$0x0] =	sbarrier.arrive $0xFFFF;
	(pc) =	sbr.rel @p0 .LBB2_1-.Ltmp1, $4  }
0x47: {  	[hbm:s7], [sflag:s6] =	dma.local [spmem:s11], $0x2780  }
0x48: {  	_ =	swait.ge [sflag:s12], $0x2780  }
0x49: {  	[sflag:s12] =	ssyncset.done $0x0  }
0x4a: {  	[sflag:s12] =	ssyncadd.s32 $0xFFFFD880  }
0x4b: {  	_ =	sfence.sel $0x180000  }
0x4c: {  	[bflag:$0x0] =	sbarrier.arrive $0xFFFF  }
0x4d: {  	p0 =	sne.s32 s0, $0x0;
	_ =	strace $0x9000004A  }
0x4e: {  	s0 =	sadd.s32 @!p0 $0x100000, s2;
	[bflag:$0x2] =	sbarrier.arrive $0xFFFF  }
0x4f: {  	[sflag:s0] =	ssyncadd.tile.s32 @!p0 $0x1;
	_ =	shalt  }
.Lfunc_end2:
_tile_overlayer_lowered:
.L_overlay_start_2:
0x50: {  	(tag) =	ssettag $0x2  }
0x51: {  	s0 =	rddreg [dreg:$0x0];
	s2 =	stileid.u32  }
0x52: {  	s1 =	rddreg [dreg:$0x1];
	p0 =	sne.s32 s2, $0x0  }
0x53: {  	s3 =	rddreg [dreg:$0x2];
	[bflag:$0x3] =	sbarrier.arrive $0xFFFF;
	s2 =	simm.s32 @!p0 $0x1C02  }
0x54: {  	[timem:s3], [sflag:s2] =	dma.local @!p0 [hbm:s0], s1  }
0x55: {  	s0 =	simm.s32 @!p0 $0x2  }
0x56: {  	_ =	swait.ge @!p0 [sflag:s0], s1  }
0x57: {  	s1 =	ssub.s32 @!p0 $0x0, s1;
	[sflag:s0] =	ssyncset.done @!p0 $0x0  }
0x58: {  	[sflag:s0] =	ssyncadd.s32 @!p0 s1  }
0x59: {  	[bflag:$0x3] =	sbarrier.arrive $0xFFFF  }
0x5a: {  	_ =	shalt  }

// kernel: kernel.14.cloned.1.call-start
scs
__scs_entry_jumppad:
0x0: {  	(pc) =	sbr.rel $0x88, $3  }
0x1: {  	(tag) =	ssettag $0x0;
	lr =	simm.s32 $0x1  }
0x2: {  	[smem:$0x3F9B] =	sst lr;
	_ =	strace $0xD0000000  }
0x3: {  	_ = 	snop  }
0x4: {  	_ = 	snop  }
0x5: {  	_ = 	snop  }
0x6: {  	_ = 	snop  }
0x7: {  	_ = 	snop  }
__scs_overlays_trampoline_lowered:
0x8: {  	[smem:$0x3FAA] =	sst s0  }
0x9: {  	[smem:$0x3FAB] =	sst s1  }
0xa: {  	[smem:$0x3FAC] =	sst s2  }
0xb: {  	[smem:$0x3FAD] =	sst s3  }
0xc: {  	[smem:$0x3FAE] =	sst s4  }
0xd: {  	[smem:$0x3FAF] =	sst s5  }
0xe: {  	[smem:$0x3FB0] =	sst s6  }
0xf: {  	[smem:$0x3FB1] =	sst s7  }
0x10: {  	[smem:$0x3FB2] =	sst s8  }
0x11: {  	[smem:$0x3FB3] =	sst s9;
	s0 =	simm.s32 @!p0 $0x0  }
0x12: {  	s1 =	sld [smem:$0x3F99];
	s0 =	simm.s32 @p0 $0x1  }
0x13: {  	[smem:$0x3FB4] =	sst s0;
	s0 =	simm.s32 @!p1 $0x0  }
0x14: {  	s2 =	sld [smem:$0x3F98];
	s0 =	simm.s32 @p1 $0x1  }
0x15: {  	[smem:$0x3FB5] =	sst s0;
	s0 =	simm.s32 @!p2 $0x0  }
0x16: {  	s3 =	sld [smem:$0x3FDB];
	s0 =	simm.s32 @p2 $0x1  }
0x17: {  	s4 =	simm.s32 $0x1BF5;
	[smem:$0x3FB7] =	sst s0  }
0x18: {  	s0 =	sld [smem:$0x3F9A];
	_ =	swait.ge [sflag:s4], $0x0  }
0x19: {  	s7 =	sld [smem:$0x3F9B]  }
0x1a: {  	s8 =	sadd.s32 $0xFFFFE003, lr  }
0x1b: {  	s9 =	sadd.s32 $0xFFFFFEF7, lr;
	s5 =	simm.s32 $0xFFFFFFFF;
	p2 =	slt.u32 s8, $0xFFFFF086  }
0x1c: {  	p1 =	slt.u32 s9, $0xF7A;
	s5 =	simm.s32 @!p2 $0x0  }
0x1d: {  	s5 =	simm.s32 @p1 $0x1;
	p0 =	seq.s32 s7, s2  }
0x1e: {  	s7 =	smul.u32 @!p0 $0xF7A, s2;
	p2 =	seq.s32 @!p0 s5, $0x0  }
0x1f: {  	s9 =	smul.u32 $0xF7A, s1;
	s8 =	simm.s32 @!p0 $0x1BF5;
	p2 =	por !p2, p0  }
0x20: {  	[sflag:s8] =	ssyncset.s32 @!p0 $0xFFFFF086;
	s6 =	sadd.s32 @!p0 s3, s7;
	s7 =	simm.s32 @!p0 $0x108  }
0x21: {  	s3 =	sadd.s32 s3, s9;
	s6 =	sadd.s32 @!p0 $0x88, s6;
	s7 =	simm.s32 @p2 $0x1082  }
0x22: {  	[simem:s7], [sflag:s8] =	dma.local @!p0 [hbm:s6], $0xF7A  }
0x23: {  	s9 =	sor.u32 $0xD0000000, s2;
	s6 =	simm.s32 $0x108;
	_ =	swait.ge @!p0 [sflag:s8], $0x0  }
0x24: {  	s3 =	sadd.s32 $0x88, s3;
	s6 =	simm.s32 @!p1 $0x1082;
	[sflag:s4] =	ssyncset.s32 $0xFFFFF086  }
0x25: {  	[simem:s6], [sflag:s4] =	dma.local [hbm:s3], $0xF7A  }
0x26: {  	[smem:$0x3F9B] =	sst s1;
	(tag) =	ssettag s2;
	_ =	strace s9  }
0x27: {  	s1 =	sld [smem:$0x3FAB]  }
0x28: {  	s2 =	sld [smem:$0x3FAC]  }
0x29: {  	s4 =	sld [smem:$0x3FAE]  }
0x2a: {  	p0 =	seq.s32 s5, $0x0;
	s5 =	sld [smem:$0x3FAF]  }
0x2b: {  	s6 =	sld [smem:$0x3FB0]  }
0x2c: {  	s7 =	sld [smem:$0x3FB1]  }
0x2d: {  	s3 =	simm.s32 $0x108;
	s8 =	sld [smem:$0x3FB2]  }
0x2e: {  	s3 =	simm.s32 @!p0 $0x1082;
	s9 =	sld [smem:$0x3FB3]  }
0x2f: {  	lr =	sadd.s32 s0, s3;
	s0 =	sld [smem:$0x3FAA]  }
0x30: {  	s3 =	sld [smem:$0x3FAD]  }
0x31: {  	[smem:$0x3FB6] =	sst s10  }
0x32: {  	s10 =	sld [smem:$0x3FB4];
	_ =	sdelay $0x3  }
0x33: {  	p0 =	seq.s32 s10, $0x1;
	s10 =	sld [smem:$0x3FB6];
	_ =	sdelay $0x3  }
0x34: {  	[smem:$0x3FB6] =	sst s10  }
0x35: {  	s10 =	sld [smem:$0x3FB5];
	_ =	sdelay $0x3  }
0x36: {  	p1 =	seq.s32 s10, $0x1;
	s10 =	sld [smem:$0x3FB6];
	_ =	sdelay $0x3  }
0x37: {  	[smem:$0x3FB6] =	sst s10  }
0x38: {  	s10 =	sld [smem:$0x3FB7]  }
0x39: {  	_ = 	snop;
	(pc) =	sbr.ind lr, $3  }
0x3a: {  	_ = 	snop  }
0x3b: {  	_ = 	snop  }
0x3c: {  	p2 =	seq.s32 s10, $0x1;
	s10 =	sld [smem:$0x3FB6]  }
0x3d: {  	_ =	shalt  }
0x3e: {  	_ =	shalt  }
0x3f: {  	_ =	shalt  }
0x40: {  	_ =	shalt  }
0x41: {  	_ =	shalt  }
0x42: {  	_ =	shalt  }
0x43: {  	_ =	shalt  }
0x44: {  	_ =	shalt  }
0x45: {  	_ =	shalt  }
0x46: {  	_ =	shalt  }
0x47: {  	_ =	shalt  }
0x48: {  	_ =	shalt  }
0x49: {  	_ =	shalt  }
0x4a: {  	_ =	shalt  }
0x4b: {  	_ =	shalt  }
0x4c: {  	_ =	shalt  }
0x4d: {  	_ =	shalt  }
0x4e: {  	_ =	shalt  }
0x4f: {  	_ =	shalt  }
0x50: {  	_ =	shalt  }
0x51: {  	_ =	shalt  }
0x52: {  	_ =	shalt  }
0x53: {  	_ =	shalt  }
0x54: {  	_ =	shalt  }
0x55: {  	_ =	shalt  }
0x56: {  	_ =	shalt  }
0x57: {  	_ =	shalt  }
0x58: {  	_ =	shalt  }
0x59: {  	_ =	shalt  }
0x5a: {  	_ =	shalt  }
0x5b: {  	_ =	shalt  }
0x5c: {  	_ =	shalt  }
0x5d: {  	_ =	shalt  }
0x5e: {  	_ =	shalt  }
0x5f: {  	_ =	shalt  }
0x60: {  	_ =	shalt  }
0x61: {  	_ =	shalt  }
0x62: {  	_ =	shalt  }
0x63: {  	_ =	shalt  }
0x64: {  	_ =	shalt  }
0x65: {  	_ =	shalt  }
0x66: {  	_ =	shalt  }
0x67: {  	_ =	shalt  }
0x68: {  	_ =	shalt  }
0x69: {  	_ =	shalt  }
0x6a: {  	_ =	shalt  }
0x6b: {  	_ =	shalt  }
0x6c: {  	_ =	shalt  }
0x6d: {  	_ =	shalt  }
0x6e: {  	_ =	shalt  }
0x6f: {  	_ =	shalt  }
0x70: {  	_ =	shalt  }
0x71: {  	_ =	shalt  }
0x72: {  	_ =	shalt  }
0x73: {  	_ =	shalt  }
0x74: {  	_ =	shalt  }
0x75: {  	_ =	shalt  }
0x76: {  	_ =	shalt  }
0x77: {  	_ =	shalt  }
0x78: {  	_ =	shalt  }
0x79: {  	_ =	shalt  }
0x7a: {  	_ =	shalt  }
0x7b: {  	_ =	shalt  }
0x7c: {  	_ =	shalt  }
0x7d: {  	_ =	shalt  }
0x7e: {  	_ =	shalt  }
0x7f: {  	_ =	shalt  }
0x80: {  	_ =	shalt  }
0x81: {  	_ =	shalt  }
0x82: {  	_ =	shalt  }
0x83: {  	_ =	shalt  }
0x84: {  	_ =	shalt  }
0x85: {  	_ =	shalt  }
0x86: {  	_ =	shalt  }
0x87: {  	_ =	shalt  }
.Lfunc_end0:
.L_simem_size_0:
called_computation.2_lowered:
.L_overlay_start_0:
0x88: {  	s2 =	sld [smem:$0x3FD9]  }
0x89: {  	s3 =	sld [smem:$0x3FFE];
	_ =	sdelay $0x1  }
0x8a: {  	s1 =	srdreg.scid  }
0x8b: {  	s0 =	sand.u32 $0x1, s1  }
0x8c: {  	s17 =	sshll.u32 s0, $0xA;
	s2 =	sadd.s32 s3, s2  }
0x8d: {  	s2 =	sadd.s32 s2, s17  }
0x8e: {  	[smem:$0x3FC2] =	sst s2  }
0x8f: {  	_ = 	snop  }
0x90: {  	s2 =	sld [smem:$0x3FD0];
	(tm) =	ssettm $0x1  }
0x91: {  	s18 =	sld [smem:$0x3FFB];
	_ =	sdelay $0x3  }
0x92: {  	_ =	strace s18  }
0x93: {  	s3 =	sld [smem:$0x3FFC];
	_ =	sdelay $0x3  }
0x94: {  	_ =	strace s3  }
0x95: {  	s3 =	sld [smem:$0x3FFD];
	_ =	sdelay $0x3  }
0x96: {  	_ =	strace s3  }
0x97: {  	_ =	strace $0x8FFFFFFF  }
0x98: {  	s19 =	sld [smem:$0x3FDB];
	_ =	sdelay $0x1  }
0x99: {  	s4 =	simm.s32 $_scs_section_size  }
0x9a: {  	s5 =	simm.s32 $_size__tile_overlayer_lowered;
	s6 =	simm.s32 $_tile_overlayer_lowered  }
0x9b: {  	s22 =	simm.s32 $0x1BFF;
	s21 =	sshll.u32 s6, $0x1;
	s3 =	sadd.s32 s4, s19  }
0x9c: {  	s7 =	simm.s32 $0x0;
	s20 =	sshll.u32 s5, $0x1;
	s5 =	sadd.s32 s21, s3  }
0x9d: {  	[timem:s7], [sflag:s22] =	dma.local [hbm:s5], s20  }
0x9e: {  	_ =	swait.ge [sflag:s22], s20  }
0x9f: {  	s4 =	ssub.s32 $0x0, s20;
	[sflag:s22] =	ssyncset.done $0x0  }
0xa0: {  	[sflag:s22] =	ssyncadd.s32 s4;
	_ =	sdelay $0x1  }
0xa1: {  	s23 =	simm.s32 $0x1B8B  }
0xa2: {  	_ =	swait.ge [sflag:s23], $0x1  }
0xa3: {  	[sflag:s23] =	ssyncset.done $0x0  }
0xa4: {  	s25 =	simm.s32 $0x1B8E;
	s24 =	sld [smem:$0x3FFE];
	[sflag:s23] =	ssyncadd.s32 $0xFFFFFFFF  }
0xa5: {  	s26 =	simm.s32 $execute0_lowered;
	[smem:$0x3FD2] =	sst s25  }
0xa6: {  	s5 =	sshll.u32 s26, $0x1;
	_ =	strace $0x8000004C;
	[dreg:$0x1] =	wrdreg $0xFFFFFFFF  }
0xa7: {  	s28 =	simm.s32 $_size_execute0_lowered;
	s3 =	sadd.s32 s3, s5;
	[dreg:$0x0] =	wrdreg $0x0  }
0xa8: {  	s5 =	sshll.u32 s28, $0x1;
	[dreg:$0x2] =	wrdreg s3  }
0xa9: {  	[dreg:$0x3] =	wrdreg s5  }
0xaa: {  	[dreg:$0x4] =	wrdreg $0xC0  }
0xab: {  	_ =	task [dreg:s7], $0x5FFFF  }
0xac: {  	[dreg:$0x1] =	wrdreg $0xFFFFFFFF  }
0xad: {  	[dreg:$0x0] =	wrdreg $0x60  }
0xae: {  	[dreg:$0x2] =	wrdreg s2  }
0xaf: {  	[dreg:$0x3] =	wrdreg s24  }
0xb0: {  	[dreg:$0x4] =	wrdreg $0x29000  }
0xb1: {  	[dreg:$0x5] =	wrdreg $0x9  }
0xb2: {  	_ =	task.clear_ibuf [dreg:s7], $0x6FFFF;
	_ =	strace $0x9000004C  }
0xb3: {  	s29 =	simm.s32 $0x9;
	_ =	strace $0x8000004E  }
0xb4: {  	_ =	swait.ge [sflag:s29], $0x1  }
0xb5: {  	[sflag:s29] =	ssyncadd.s32 $0xFFFFFFFF  }
0xb6: {  	_ =	strace $0x9000004E  }
0xb7: {  	_ =	sfence  }
0xb8: {  	s30 =	sld [smem:$0x0];
	_ =	sdelay $0x2  }
0xb9: {  	s31 =	sshll.u32 s1, $0xD;
	s1 =	sshrl.u32 s1, $0x2  }
0xba: {  	s3 =	sand.u32 $0x4000, s31;
	s1 =	sadd.s32 s1, s30  }
0xbb: {  	s0 =	sor.u32 s3, s0;
	s1 =	sshll.u32 s1, $0x11  }
0xbc: {  	s0 =	sor.u32 s1, s0  }
0xbd: {  	s0 =	sadd.s32 $0x8F2B, s0  }
0xbe: {  	[sflag:s0] =	ssyncadd.remote.s32 $0x1  }
0xbf: {  	_ =	sfence.sel $0xFFFF  }
0xc0: {  	[dreg:$0x0] =	wrdreg $0xFFFFFFFF;
	(pc) =	sbr.abs _section_cstart, $3  }
0xc1: {  	[dreg:$0x1] =	wrdreg $0xFFFFFFFF  }
0xc2: {  	_ =	task.clear_ibuf [dreg:s7], $0x2FFFF;
	_ =	strace $0x9FFFFFFF  }
0xc3: {  	(tm) =	ssettm $0x7FFFFFFF  }
tec
execute0_lowered:
.L_overlay_start_1:
0x0: {  	(tag) =	ssettag $0x1  }
0x1: {  	s1 =	rddreg [dreg:$0x0]  }
0x2: {  	s2 =	srdreg.scid;
	s5 =	rddreg [dreg:$0x1]  }
0x3: {  	s0 =	stileid.u32;
	s3 =	rddreg [dreg:$0x2];
	s4 =	simm.s32 $0x0  }
0x4: {  	s13 =	simm.s32 $0x80;
	s14 =	simm.s32 $0x50;
	s7 =	smul.u32 $0x4E20, s0  }
0x5: {  	s15 =	simm.s32 $0x100;
	s16 =	simm.s32 $0x1;
	s26 =	smul.u32 $0x13C00, s0  }
0x6: {  	s6 =	sand.u32 $0x1, s2;
	s2 =	rddreg [dreg:$0x3];
	s29 =	smul.u32 $0x4F000, s0  }
0x7: {  	s17 =	simm.s32 $0x0;
	[smem:$0x7FF] =	sst s4;
	s8 =	smul.u32 $0x2710, s6  }
0x8: {  	s31 =	sshll.u32 s0, $0x6;
	s9 =	smul.u32 $0x13C000, s6;
	s6 =	ssub.s32 $0x2, s6  }
0x9: {  	_ =	strace $0x8000004D;
	s28 =	sshrl.u32 s26, $0x3;
	s11 =	sshrl.u32 s6, $0x1  }
0xa: {  	s30 =	sshrl.u32 s29, $0x2;
	s7 =	sadd.s32 s8, s7;
	s8 =	sadd.s32 s26, s9  }
0xb: {  	s11 =	ssub.s32 s6, s11;
	s12 =	sadd.s32 s30, s3;
	s7 =	sshrl.u32 s7, $0x3  }
0xc: {  	s8 =	sshrl.u32 s8, $0x3;
	s10 =	sadd.s32 s7, s5;
	s7 =	sadd.s32 s28, s5  }
0xd: {  	s6 =	sor.u32 $0x1C02, s31;
	s8 =	sadd.s32 s8, s5;
	s5 =	sadd.s32 $0x65600, s7  }
0xe: {  	s7 =	sadd.s32 $0x8CE00, s8;
	s8 =	smax.u32 s11, $0x1;
	s9 =	sadd.s32 $0x2A00, s10  }
0xf: {  	s10 =	sadd.s32 $0xC800, s10;
	s11 =	sshrl.u32 s12, $0x3;
	s12 =	simm.s32 $0x2  }
.LBB2_1:
0x10: {  	[spmem:s11], [sflag:s6] =	dma.local [hbm:s5], $0x2780  }
0x11: {  	_ =	swait.ge [sflag:s12], $0x2780  }
0x12: {  	[sflag:s12] =	ssyncset.done $0x0  }
0x13: {  	[sflag:s12] =	ssyncadd.s32 $0xFFFFD880  }
0x14: {  	s18 =	sadd.s32 $0x0, s10;
	[bflag:$0x0] =	sbarrier.arrive $0xFFFF  }
0x15: {  	[tilespmem:s4], [sflag:$0x2] =	stream.linear.gather [hbm4b:s18+s4], $0x50, $0x38;
	[tilespmem:$0x16500] =	vst v63  }
0x16: {  	_ =	swait.ge [sflag:s12], $0x50  }
0x17: {  	[sflag:s12] =	ssyncset.done $0x0  }
0x18: {  	s31 =	sadd.s32 $0x0, s9;
	[sflag:s12] =	ssyncadd.s32 $0xFFFFFFB0  }
0x19: {  	[tilespmem:s13], [sflag:$0x2] =	stream.linear.gather [hbm4b:s31+s4], $0x50, $0x38;
	[tilespmem:$0x16500] =	vst v63  }
0x1a: {  	_ =	swait.ge [sflag:s12], $0x50  }
0x1b: {  	[sflag:s12] =	ssyncset.done $0x0  }
0x1c: {  	[sflag:s12] =	ssyncadd.s32 $0xFFFFFFB0  }
0x1d: {  	[tilespmem:s15], [sflag:$0x1] =	stream.indirect.gather [hbm4b:s1+s14], $0x80, s4, s14, $0xb8;
	[tilespmem:$0x16500] =	vst v63  }
0x1e: {  	_ =	swait.ge [sflag:s16], $0x2800  }
0x1f: {  	[sflag:s16] =	ssyncset.done $0x0  }
0x20: {  	[sflag:s16] =	ssyncadd.s32 $0xFFFFD800  }
0x21: {  	[spmem:s3] =	stream.indirect.scatter.add.f32 [tilespmem:s15], [sflag:$0x2], $0x80, s13, s14, $0xb8;
	[tilespmem:$0x16500] =	vst v63  }
0x22: {  	_ =	swait.ge [sflag:s12], $0x2800  }
0x23: {  	s19 =	simm.s32 $0x14;
	s18 =	simm.s32 $0xA;
	[sflag:s12] =	ssyncset.done $0x0  }
.LBB2_2:
0x24: {  	s20 =	sadd.s32 s18, s10  }
0x25: {  	[sflag:s12] =	ssyncadd.s32 $0xFFFFD800;
	s21 =	smov.u32 s19;
	s22 =	sadd.s32 $0xA, s19  }
0x26: {  	[tilespmem:s4], [sflag:$0x2] =	stream.linear.gather [hbm4b:s20+s4], $0x50, $0x38;
	[tilespmem:$0x16500] =	vst v63  }
0x27: {  	p0 =	sne.s32 s19, $0x4D8;
	_ =	swait.ge [sflag:s12], $0x50  }
0x28: {  	[sflag:s12] =	ssyncset.done $0x0  }
0x29: {  	s19 =	sadd.s32 s18, s9;
	s18 =	smov.u32 s21;
	[sflag:s12] =	ssyncadd.s32 $0xFFFFFFB0  }
0x2a: {  	[tilespmem:s13], [sflag:$0x2] =	stream.linear.gather [hbm4b:s19+s4], $0x50, $0x38;
	[tilespmem:$0x16500] =	vst v63  }
0x2b: {  	_ =	swait.ge [sflag:s12], $0x50  }
0x2c: {  	[sflag:s12] =	ssyncset.done $0x0  }
0x2d: {  	[sflag:s12] =	ssyncadd.s32 $0xFFFFFFB0  }
0x2e: {  	[tilespmem:s15], [sflag:$0x1] =	stream.indirect.gather [hbm4b:s1+s14], $0x80, s4, s14, $0xb8;
	[tilespmem:$0x16500] =	vst v63  }
0x2f: {  	_ =	swait.ge [sflag:s16], $0x2800  }
.Ltmp0:
0x30: {  	[sflag:s16] =	ssyncset.done $0x0;
	(pc) =	sbr.rel @p0 .LBB2_2-.Ltmp0, $4  }
0x31: {  	[sflag:s16] =	ssyncadd.s32 $0xFFFFD800  }
0x32: {  	[spmem:s3] =	stream.indirect.scatter.add.f32 [tilespmem:s15], [sflag:$0x2], $0x80, s13, s14, $0xb8;
	[tilespmem:$0x16500] =	vst v63  }
0x33: {  	_ =	swait.ge [sflag:s12], $0x2800  }
0x34: {  	s19 =	smov.u32 s22;
	[sflag:s12] =	ssyncset.done $0x0  }
0x35: {  	s19 =	sadd.s32 s18, s10;
	[sflag:s12] =	ssyncadd.s32 $0xFFFFD800  }
0x36: {  	[tilespmem:s4], [sflag:$0x2] =	stream.linear.gather [hbm4b:s19+s4], $0x50, $0x38;
	[tilespmem:$0x16500] =	vst v63  }
0x37: {  	_ =	swait.ge [sflag:s12], $0x50  }
0x38: {  	[sflag:s12] =	ssyncset.done $0x0  }
0x39: {  	s31 =	sadd.s32 s18, s9;
	[sflag:s12] =	ssyncadd.s32 $0xFFFFFFB0  }
0x3a: {  	[tilespmem:s13], [sflag:$0x2] =	stream.linear.gather [hbm4b:s31+s4], $0x50, $0x38;
	[tilespmem:$0x16500] =	vst v63  }
0x3b: {  	_ =	swait.ge [sflag:s12], $0x50  }
0x3c: {  	[sflag:s12] =	ssyncset.done $0x0  }
0x3d: {  	[sflag:s12] =	ssyncadd.s32 $0xFFFFFFB0  }
0x3e: {  	[tilespmem:s15], [sflag:$0x1] =	stream.indirect.gather [hbm4b:s1+s14], $0x80, s4, s14, $0xb8;
	[tilespmem:$0x16500] =	vst v63  }
0x3f: {  	_ =	swait.ge [sflag:s16], $0x2800  }
0x40: {  	[sflag:s16] =	ssyncset.done $0x0  }
0x41: {  	[sflag:s16] =	ssyncadd.s32 $0xFFFFD800  }
0x42: {  	[spmem:s3] =	stream.indirect.scatter.add.f32 [tilespmem:s15], [sflag:$0x2], $0x80, s13, s14, $0xb8;
	[tilespmem:$0x16500] =	vst v63  }
0x43: {  	_ =	swait.ge [sflag:s12], $0x2800  }
0x44: {  	s17 =	sadd.s32 $0x1, s17;
	[sflag:s12] =	ssyncset.done $0x0  }
0x45: {  	p0 =	sne.s32 s17, s8;
	[sflag:s12] =	ssyncadd.s32 $0xFFFFD800  }
.Ltmp1:
0x46: {  	[bflag:$0x0] =	sbarrier.arrive $0xFFFF;
	(pc) =	sbr.rel @p0 .LBB2_1-.Ltmp1, $4  }
0x47: {  	[hbm:s7], [sflag:s6] =	dma.local [spmem:s11], $0x2780  }
0x48: {  	_ =	swait.ge [sflag:s12], $0x2780  }
0x49: {  	[sflag:s12] =	ssyncset.done $0x0  }
0x4a: {  	[sflag:s12] =	ssyncadd.s32 $0xFFFFD880  }
0x4b: {  	_ =	sfence.sel $0x180000  }
0x4c: {  	[bflag:$0x0] =	sbarrier.arrive $0xFFFF  }
0x4d: {  	p0 =	sne.s32 s0, $0x0;
	_ =	strace $0x9000004D  }
0x4e: {  	s0 =	sadd.s32 @!p0 $0x100000, s2;
	[bflag:$0x2] =	sbarrier.arrive $0xFFFF  }
0x4f: {  	[sflag:s0] =	ssyncadd.tile.s32 @!p0 $0x1;
	_ =	shalt  }
.Lfunc_end2:
_tile_overlayer_lowered:
.L_overlay_start_2:
0x50: {  	(tag) =	ssettag $0x2  }
0x51: {  	s0 =	rddreg [dreg:$0x0];
	s2 =	stileid.u32  }
0x52: {  	s1 =	rddreg [dreg:$0x1];
	p0 =	sne.s32 s2, $0x0  }
0x53: {  	s3 =	rddreg [dreg:$0x2];
	[bflag:$0x3] =	sbarrier.arrive $0xFFFF;
	s2 =	simm.s32 @!p0 $0x1C02  }
0x54: {  	[timem:s3], [sflag:s2] =	dma.local @!p0 [hbm:s0], s1  }
0x55: {  	s0 =	simm.s32 @!p0 $0x2  }
0x56: {  	_ =	swait.ge @!p0 [sflag:s0], s1  }
0x57: {  	s1 =	ssub.s32 @!p0 $0x0, s1;
	[sflag:s0] =	ssyncset.done @!p0 $0x0  }
0x58: {  	[sflag:s0] =	ssyncadd.s32 @!p0 s1  }
0x59: {  	[bflag:$0x3] =	sbarrier.arrive $0xFFFF  }
0x5a: {  	_ =	shalt  }

// kernel: kernel.8.cloned.1.call-start
scs
__scs_entry_jumppad:
0x0: {  	(pc) =	sbr.rel $0x88, $3  }
0x1: {  	(tag) =	ssettag $0x0;
	lr =	simm.s32 $0x1  }
0x2: {  	[smem:$0x3F9B] =	sst lr;
	_ =	strace $0xD0000000  }
0x3: {  	_ = 	snop  }
0x4: {  	_ = 	snop  }
0x5: {  	_ = 	snop  }
0x6: {  	_ = 	snop  }
0x7: {  	_ = 	snop  }
__scs_overlays_trampoline_lowered:
0x8: {  	[smem:$0x3FAA] =	sst s0  }
0x9: {  	[smem:$0x3FAB] =	sst s1  }
0xa: {  	[smem:$0x3FAC] =	sst s2  }
0xb: {  	[smem:$0x3FAD] =	sst s3  }
0xc: {  	[smem:$0x3FAE] =	sst s4  }
0xd: {  	[smem:$0x3FAF] =	sst s5  }
0xe: {  	[smem:$0x3FB0] =	sst s6  }
0xf: {  	[smem:$0x3FB1] =	sst s7  }
0x10: {  	[smem:$0x3FB2] =	sst s8  }
0x11: {  	[smem:$0x3FB3] =	sst s9;
	s0 =	simm.s32 @!p0 $0x0  }
0x12: {  	s1 =	sld [smem:$0x3F99];
	s0 =	simm.s32 @p0 $0x1  }
0x13: {  	[smem:$0x3FB4] =	sst s0;
	s0 =	simm.s32 @!p1 $0x0  }
0x14: {  	s2 =	sld [smem:$0x3F98];
	s0 =	simm.s32 @p1 $0x1  }
0x15: {  	[smem:$0x3FB5] =	sst s0;
	s0 =	simm.s32 @!p2 $0x0  }
0x16: {  	s3 =	sld [smem:$0x3FDB];
	s0 =	simm.s32 @p2 $0x1  }
0x17: {  	s4 =	simm.s32 $0x1BF5;
	[smem:$0x3FB7] =	sst s0  }
0x18: {  	s0 =	sld [smem:$0x3F9A];
	_ =	swait.ge [sflag:s4], $0x0  }
0x19: {  	s7 =	sld [smem:$0x3F9B]  }
0x1a: {  	s8 =	sadd.s32 $0xFFFFE003, lr  }
0x1b: {  	s9 =	sadd.s32 $0xFFFFFEF7, lr;
	s5 =	simm.s32 $0xFFFFFFFF;
	p2 =	slt.u32 s8, $0xFFFFF086  }
0x1c: {  	p1 =	slt.u32 s9, $0xF7A;
	s5 =	simm.s32 @!p2 $0x0  }
0x1d: {  	s5 =	simm.s32 @p1 $0x1;
	p0 =	seq.s32 s7, s2  }
0x1e: {  	s7 =	smul.u32 @!p0 $0xF7A, s2;
	p2 =	seq.s32 @!p0 s5, $0x0  }
0x1f: {  	s9 =	smul.u32 $0xF7A, s1;
	s8 =	simm.s32 @!p0 $0x1BF5;
	p2 =	por !p2, p0  }
0x20: {  	[sflag:s8] =	ssyncset.s32 @!p0 $0xFFFFF086;
	s6 =	sadd.s32 @!p0 s3, s7;
	s7 =	simm.s32 @!p0 $0x108  }
0x21: {  	s3 =	sadd.s32 s3, s9;
	s6 =	sadd.s32 @!p0 $0x88, s6;
	s7 =	simm.s32 @p2 $0x1082  }
0x22: {  	[simem:s7], [sflag:s8] =	dma.local @!p0 [hbm:s6], $0xF7A  }
0x23: {  	s9 =	sor.u32 $0xD0000000, s2;
	s6 =	simm.s32 $0x108;
	_ =	swait.ge @!p0 [sflag:s8], $0x0  }
0x24: {  	s3 =	sadd.s32 $0x88, s3;
	s6 =	simm.s32 @!p1 $0x1082;
	[sflag:s4] =	ssyncset.s32 $0xFFFFF086  }
0x25: {  	[simem:s6], [sflag:s4] =	dma.local [hbm:s3], $0xF7A  }
0x26: {  	[smem:$0x3F9B] =	sst s1;
	(tag) =	ssettag s2;
	_ =	strace s9  }
0x27: {  	s1 =	sld [smem:$0x3FAB]  }
0x28: {  	s2 =	sld [smem:$0x3FAC]  }
0x29: {  	s4 =	sld [smem:$0x3FAE]  }
0x2a: {  	p0 =	seq.s32 s5, $0x0;
	s5 =	sld [smem:$0x3FAF]  }
0x2b: {  	s6 =	sld [smem:$0x3FB0]  }
0x2c: {  	s7 =	sld [smem:$0x3FB1]  }
0x2d: {  	s3 =	simm.s32 $0x108;
	s8 =	sld [smem:$0x3FB2]  }
0x2e: {  	s3 =	simm.s32 @!p0 $0x1082;
	s9 =	sld [smem:$0x3FB3]  }
0x2f: {  	lr =	sadd.s32 s0, s3;
	s0 =	sld [smem:$0x3FAA]  }
0x30: {  	s3 =	sld [smem:$0x3FAD]  }
0x31: {  	[smem:$0x3FB6] =	sst s10  }
0x32: {  	s10 =	sld [smem:$0x3FB4];
	_ =	sdelay $0x3  }
0x33: {  	p0 =	seq.s32 s10, $0x1;
	s10 =	sld [smem:$0x3FB6];
	_ =	sdelay $0x3  }
0x34: {  	[smem:$0x3FB6] =	sst s10  }
0x35: {  	s10 =	sld [smem:$0x3FB5];
	_ =	sdelay $0x3  }
0x36: {  	p1 =	seq.s32 s10, $0x1;
	s10 =	sld [smem:$0x3FB6];
	_ =	sdelay $0x3  }
0x37: {  	[smem:$0x3FB6] =	sst s10  }
0x38: {  	s10 =	sld [smem:$0x3FB7]  }
0x39: {  	_ = 	snop;
	(pc) =	sbr.ind lr, $3  }
0x3a: {  	_ = 	snop  }
0x3b: {  	_ = 	snop  }
0x3c: {  	p2 =	seq.s32 s10, $0x1;
	s10 =	sld [smem:$0x3FB6]  }
0x3d: {  	_ =	shalt  }
0x3e: {  	_ =	shalt  }
0x3f: {  	_ =	shalt  }
0x40: {  	_ =	shalt  }
0x41: {  	_ =	shalt  }
0x42: {  	_ =	shalt  }
0x43: {  	_ =	shalt  }
0x44: {  	_ =	shalt  }
0x45: {  	_ =	shalt  }
0x46: {  	_ =	shalt  }
0x47: {  	_ =	shalt  }
0x48: {  	_ =	shalt  }
0x49: {  	_ =	shalt  }
0x4a: {  	_ =	shalt  }
0x4b: {  	_ =	shalt  }
0x4c: {  	_ =	shalt  }
0x4d: {  	_ =	shalt  }
0x4e: {  	_ =	shalt  }
0x4f: {  	_ =	shalt  }
0x50: {  	_ =	shalt  }
0x51: {  	_ =	shalt  }
0x52: {  	_ =	shalt  }
0x53: {  	_ =	shalt  }
0x54: {  	_ =	shalt  }
0x55: {  	_ =	shalt  }
0x56: {  	_ =	shalt  }
0x57: {  	_ =	shalt  }
0x58: {  	_ =	shalt  }
0x59: {  	_ =	shalt  }
0x5a: {  	_ =	shalt  }
0x5b: {  	_ =	shalt  }
0x5c: {  	_ =	shalt  }
0x5d: {  	_ =	shalt  }
0x5e: {  	_ =	shalt  }
0x5f: {  	_ =	shalt  }
0x60: {  	_ =	shalt  }
0x61: {  	_ =	shalt  }
0x62: {  	_ =	shalt  }
0x63: {  	_ =	shalt  }
0x64: {  	_ =	shalt  }
0x65: {  	_ =	shalt  }
0x66: {  	_ =	shalt  }
0x67: {  	_ =	shalt  }
0x68: {  	_ =	shalt  }
0x69: {  	_ =	shalt  }
0x6a: {  	_ =	shalt  }
0x6b: {  	_ =	shalt  }
0x6c: {  	_ =	shalt  }
0x6d: {  	_ =	shalt  }
0x6e: {  	_ =	shalt  }
0x6f: {  	_ =	shalt  }
0x70: {  	_ =	shalt  }
0x71: {  	_ =	shalt  }
0x72: {  	_ =	shalt  }
0x73: {  	_ =	shalt  }
0x74: {  	_ =	shalt  }
0x75: {  	_ =	shalt  }
0x76: {  	_ =	shalt  }
0x77: {  	_ =	shalt  }
0x78: {  	_ =	shalt  }
0x79: {  	_ =	shalt  }
0x7a: {  	_ =	shalt  }
0x7b: {  	_ =	shalt  }
0x7c: {  	_ =	shalt  }
0x7d: {  	_ =	shalt  }
0x7e: {  	_ =	shalt  }
0x7f: {  	_ =	shalt  }
0x80: {  	_ =	shalt  }
0x81: {  	_ =	shalt  }
0x82: {  	_ =	shalt  }
0x83: {  	_ =	shalt  }
0x84: {  	_ =	shalt  }
0x85: {  	_ =	shalt  }
0x86: {  	_ =	shalt  }
0x87: {  	_ =	shalt  }
.Lfunc_end0:
.L_simem_size_0:
called_computation_lowered:
.L_overlay_start_0:
0x88: {  	s2 =	sld [smem:$0x3FD9]  }
0x89: {  	s3 =	sld [smem:$0x3FFE];
	_ =	sdelay $0x1  }
0x8a: {  	s1 =	srdreg.scid  }
0x8b: {  	s0 =	sand.u32 $0x1, s1  }
0x8c: {  	s17 =	sshll.u32 s0, $0xA;
	s2 =	sadd.s32 s3, s2  }
0x8d: {  	s2 =	sadd.s32 s2, s17  }
0x8e: {  	[smem:$0x3FC2] =	sst s2  }
0x8f: {  	_ = 	snop  }
0x90: {  	s2 =	sld [smem:$0x3FD0];
	(tm) =	ssettm $0x1  }
0x91: {  	s18 =	sld [smem:$0x3FFB];
	_ =	sdelay $0x3  }
0x92: {  	_ =	strace s18  }
0x93: {  	s3 =	sld [smem:$0x3FFC];
	_ =	sdelay $0x3  }
0x94: {  	_ =	strace s3  }
0x95: {  	s3 =	sld [smem:$0x3FFD];
	_ =	sdelay $0x3  }
0x96: {  	_ =	strace s3  }
0x97: {  	_ =	strace $0x8FFFFFFF  }
0x98: {  	s19 =	sld [smem:$0x3FDB];
	_ =	sdelay $0x1  }
0x99: {  	s4 =	simm.s32 $_scs_section_size  }
0x9a: {  	s5 =	simm.s32 $_size__tile_overlayer_lowered;
	s6 =	simm.s32 $_tile_overlayer_lowered  }
0x9b: {  	s22 =	simm.s32 $0x1BFF;
	s21 =	sshll.u32 s6, $0x1;
	s3 =	sadd.s32 s4, s19  }
0x9c: {  	s7 =	simm.s32 $0x0;
	s20 =	sshll.u32 s5, $0x1;
	s5 =	sadd.s32 s21, s3  }
0x9d: {  	[timem:s7], [sflag:s22] =	dma.local [hbm:s5], s20  }
0x9e: {  	_ =	swait.ge [sflag:s22], s20  }
0x9f: {  	s4 =	ssub.s32 $0x0, s20;
	[sflag:s22] =	ssyncset.done $0x0  }
0xa0: {  	[sflag:s22] =	ssyncadd.s32 s4;
	_ =	sdelay $0x1  }
0xa1: {  	s23 =	simm.s32 $0x1B8B  }
0xa2: {  	_ =	swait.ge [sflag:s23], $0x1  }
0xa3: {  	[sflag:s23] =	ssyncset.done $0x0  }
0xa4: {  	s25 =	simm.s32 $0x1B8E;
	s24 =	sld [smem:$0x3FFE];
	[sflag:s23] =	ssyncadd.s32 $0xFFFFFFFF  }
0xa5: {  	s26 =	simm.s32 $execute0_lowered;
	[smem:$0x3FD2] =	sst s25  }
0xa6: {  	s5 =	sshll.u32 s26, $0x1;
	_ =	strace $0x80000046;
	[dreg:$0x1] =	wrdreg $0xFFFFFFFF  }
0xa7: {  	s28 =	simm.s32 $_size_execute0_lowered;
	s3 =	sadd.s32 s3, s5;
	[dreg:$0x0] =	wrdreg $0x0  }
0xa8: {  	s5 =	sshll.u32 s28, $0x1;
	[dreg:$0x2] =	wrdreg s3  }
0xa9: {  	[dreg:$0x3] =	wrdreg s5  }
0xaa: {  	[dreg:$0x4] =	wrdreg $0xC0  }
0xab: {  	_ =	task [dreg:s7], $0x5FFFF  }
0xac: {  	[dreg:$0x1] =	wrdreg $0xFFFFFFFF  }
0xad: {  	[dreg:$0x0] =	wrdreg $0x60  }
0xae: {  	[dreg:$0x2] =	wrdreg s24  }
0xaf: {  	[dreg:$0x3] =	wrdreg s2  }
0xb0: {  	[dreg:$0x4] =	wrdreg $0x5A00  }
0xb1: {  	[dreg:$0x5] =	wrdreg $0x9  }
0xb2: {  	_ =	task.clear_ibuf [dreg:s7], $0x6FFFF;
	_ =	strace $0x90000046  }
0xb3: {  	s29 =	simm.s32 $0x9;
	_ =	strace $0x80000048  }
0xb4: {  	_ =	swait.ge [sflag:s29], $0x1  }
0xb5: {  	[sflag:s29] =	ssyncadd.s32 $0xFFFFFFFF  }
0xb6: {  	_ =	strace $0x90000048  }
0xb7: {  	_ =	sfence  }
0xb8: {  	s30 =	sld [smem:$0x0];
	_ =	sdelay $0x2  }
0xb9: {  	s31 =	sshll.u32 s1, $0xD;
	s1 =	sshrl.u32 s1, $0x2  }
0xba: {  	s3 =	sand.u32 $0x4000, s31;
	s1 =	sadd.s32 s1, s30  }
0xbb: {  	s0 =	sor.u32 s3, s0;
	s1 =	sshll.u32 s1, $0x11  }
0xbc: {  	s0 =	sor.u32 s1, s0  }
0xbd: {  	s0 =	sadd.s32 $0x8F2B, s0  }
0xbe: {  	[sflag:s0] =	ssyncadd.remote.s32 $0x1  }
0xbf: {  	_ =	sfence.sel $0xFFFF  }
0xc0: {  	[dreg:$0x0] =	wrdreg $0xFFFFFFFF;
	(pc) =	sbr.abs _section_cstart, $3  }
0xc1: {  	[dreg:$0x1] =	wrdreg $0xFFFFFFFF  }
0xc2: {  	_ =	task.clear_ibuf [dreg:s7], $0x2FFFF;
	_ =	strace $0x9FFFFFFF  }
0xc3: {  	(tm) =	ssettm $0x7FFFFFFF  }
tec
execute0_lowered:
.L_overlay_start_1:
0x0: {  	(tag) =	ssettag $0x1  }
0x1: {  	s5 =	rddreg [dreg:$0x0]  }
0x2: {  	s7 =	rddreg [dreg:$0x1]  }
0x3: {  	s2 =	rddreg [dreg:$0x2]  }
0x4: {  	s0 =	rddreg [dreg:$0x3]  }
0x5: {  	s4 =	srdreg.scid;
	s1 =	stileid.u32  }
0x6: {  	s3 =	simm.s32 $0x0;
	s13 =	simm.s32 $0x50;
	s14 =	simm.s32 $0xA0  }
0x7: {  	s15 =	simm.s32 $0x1;
	s16 =	simm.s32 $0x0;
	s8 =	smul.u32 $0x4E20, s1  }
0x8: {  	s6 =	sand.u32 $0x1, s4;
	[smem:$0x7FF] =	sst s3;
	s25 =	smul.u32 $0x2780, s1  }
0x9: {  	s4 =	sadd.s32 $0x16600, s5;
	s30 =	sshll.u32 s1, $0x6;
	s9 =	smul.u32 $0x2710, s6  }
0xa: {  	_ =	strace $0x80000047;
	s10 =	ssub.s32 $0x2, s6;
	s6 =	smul.u32 $0x27800, s6  }
0xb: {  	s26 =	sshrl.u32 s25, $0x3;
	s12 =	sshrl.u32 s10, $0x1;
	s29 =	sadd.s32 s25, s2  }
0xc: {  	s8 =	sadd.s32 s9, s8;
	s28 =	ssub.s32 s10, s12;
	s6 =	sadd.s32 s25, s6  }
0xd: {  	s12 =	simm.s32 $0x2;
	s8 =	sshrl.u32 s8, $0x3;
	s31 =	sshrl.u32 s6, $0x3  }
0xe: {  	s6 =	sor.u32 $0x1C02, s30;
	s11 =	sadd.s32 s8, s5;
	s5 =	sadd.s32 s26, s5  }
0xf: {  	s7 =	sadd.s32 s7, s31;
	s8 =	smax.u32 s28, $0x1;
	s5 =	sadd.s32 $0x1B600, s5  }
0x10: {  	s9 =	sadd.s32 $0x2A00, s11;
	s10 =	sadd.s32 $0xC800, s11;
	s11 =	sshrl.u32 s29, $0x3  }
.LBB2_1:
0x11: {  	[spmem:s11], [sflag:s6] =	dma.local [hbm:s5], $0x4F0  }
0x12: {  	_ =	swait.ge [sflag:s12], $0x4F0  }
0x13: {  	[sflag:s12] =	ssyncset.done $0x0  }
0x14: {  	[sflag:s12] =	ssyncadd.s32 $0xFFFFFB10  }
0x15: {  	s17 =	sadd.s32 $0x0, s10;
	[bflag:$0x0] =	sbarrier.arrive $0xFFFF  }
0x16: {  	[tilespmem:s3], [sflag:$0x2] =	stream.linear.gather [hbm4b:s17+s3], $0x50, $0x38;
	[tilespmem:$0x2D20] =	vst v63  }
0x17: {  	_ =	swait.ge [sflag:s12], $0x50  }
0x18: {  	[sflag:s12] =	ssyncset.done $0x0  }
0x19: {  	s31 =	sadd.s32 $0x0, s9;
	[sflag:s12] =	ssyncadd.s32 $0xFFFFFFB0  }
0x1a: {  	[tilespmem:s13], [sflag:$0x2] =	stream.linear.gather [hbm4b:s31+s3], $0x50, $0x38;
	[tilespmem:$0x2D20] =	vst v63  }
0x1b: {  	_ =	swait.ge [sflag:s12], $0x50  }
0x1c: {  	[sflag:s12] =	ssyncset.done $0x0  }
0x1d: {  	[sflag:s12] =	ssyncadd.s32 $0xFFFFFFB0  }
0x1e: {  	[tilespmem:s14], [sflag:$0x1] =	stream.indirect.gather [hbm4b:s4+s13], $0x10, s3, s13, $0xb8;
	[tilespmem:$0x2D20] =	vst v63  }
0x1f: {  	_ =	swait.ge [sflag:s15], $0x500  }
0x20: {  	[sflag:s15] =	ssyncset.done $0x0  }
0x21: {  	[sflag:s15] =	ssyncadd.s32 $0xFFFFFB00  }
0x22: {  	[spmem:s2] =	stream.indirect.scatter.add.f32 [tilespmem:s14], [sflag:$0x2], $0x10, s13, s13, $0xb8;
	[tilespmem:$0x2D20] =	vst v63  }
0x23: {  	_ =	swait.ge [sflag:s12], $0x500  }
0x24: {  	s18 =	simm.s32 $0x14;
	s17 =	simm.s32 $0xA;
	[sflag:s12] =	ssyncset.done $0x0  }
.LBB2_2:
0x25: {  	s19 =	sadd.s32 s17, s10  }
0x26: {  	[sflag:s12] =	ssyncadd.s32 $0xFFFFFB00;
	s20 =	smov.u32 s18;
	s21 =	sadd.s32 $0xA, s18  }
0x27: {  	[tilespmem:s3], [sflag:$0x2] =	stream.linear.gather [hbm4b:s19+s3], $0x50, $0x38;
	[tilespmem:$0x2D20] =	vst v63  }
0x28: {  	p0 =	sne.s32 s18, $0x4D8;
	_ =	swait.ge [sflag:s12], $0x50  }
0x29: {  	[sflag:s12] =	ssyncset.done $0x0  }
0x2a: {  	s18 =	sadd.s32 s17, s9;
	s17 =	smov.u32 s20;
	[sflag:s12] =	ssyncadd.s32 $0xFFFFFFB0  }
0x2b: {  	[tilespmem:s13], [sflag:$0x2] =	stream.linear.gather [hbm4b:s18+s3], $0x50, $0x38;
	[tilespmem:$0x2D20] =	vst v63  }
0x2c: {  	_ =	swait.ge [sflag:s12], $0x50  }
0x2d: {  	[sflag:s12] =	ssyncset.done $0x0  }
0x2e: {  	[sflag:s12] =	ssyncadd.s32 $0xFFFFFFB0  }
0x2f: {  	[tilespmem:s14], [sflag:$0x1] =	stream.indirect.gather [hbm4b:s4+s13], $0x10, s3, s13, $0xb8;
	[tilespmem:$0x2D20] =	vst v63  }
0x30: {  	_ =	swait.ge [sflag:s15], $0x500  }
.Ltmp0:
0x31: {  	[sflag:s15] =	ssyncset.done $0x0;
	(pc) =	sbr.rel @p0 .LBB2_2-.Ltmp0, $4  }
0x32: {  	[sflag:s15] =	ssyncadd.s32 $0xFFFFFB00  }
0x33: {  	[spmem:s2] =	stream.indirect.scatter.add.f32 [tilespmem:s14], [sflag:$0x2], $0x10, s13, s13, $0xb8;
	[tilespmem:$0x2D20] =	vst v63  }
0x34: {  	_ =	swait.ge [sflag:s12], $0x500  }
0x35: {  	s18 =	smov.u32 s21;
	[sflag:s12] =	ssyncset.done $0x0  }
0x36: {  	s18 =	sadd.s32 s17, s10;
	[sflag:s12] =	ssyncadd.s32 $0xFFFFFB00  }
0x37: {  	[tilespmem:s3], [sflag:$0x2] =	stream.linear.gather [hbm4b:s18+s3], $0x50, $0x38;
	[tilespmem:$0x2D20] =	vst v63  }
0x38: {  	_ =	swait.ge [sflag:s12], $0x50  }
0x39: {  	[sflag:s12] =	ssyncset.done $0x0  }
0x3a: {  	s31 =	sadd.s32 s17, s9;
	[sflag:s12] =	ssyncadd.s32 $0xFFFFFFB0  }
0x3b: {  	[tilespmem:s13], [sflag:$0x2] =	stream.linear.gather [hbm4b:s31+s3], $0x50, $0x38;
	[tilespmem:$0x2D20] =	vst v63  }
0x3c: {  	_ =	swait.ge [sflag:s12], $0x50  }
0x3d: {  	[sflag:s12] =	ssyncset.done $0x0  }
0x3e: {  	[sflag:s12] =	ssyncadd.s32 $0xFFFFFFB0  }
0x3f: {  	[tilespmem:s14], [sflag:$0x1] =	stream.indirect.gather [hbm4b:s4+s13], $0x10, s3, s13, $0xb8;
	[tilespmem:$0x2D20] =	vst v63  }
0x40: {  	_ =	swait.ge [sflag:s15], $0x500  }
0x41: {  	[sflag:s15] =	ssyncset.done $0x0  }
0x42: {  	[sflag:s15] =	ssyncadd.s32 $0xFFFFFB00  }
0x43: {  	[spmem:s2] =	stream.indirect.scatter.add.f32 [tilespmem:s14], [sflag:$0x2], $0x10, s13, s13, $0xb8;
	[tilespmem:$0x2D20] =	vst v63  }
0x44: {  	_ =	swait.ge [sflag:s12], $0x500  }
0x45: {  	s16 =	sadd.s32 $0x1, s16;
	[sflag:s12] =	ssyncset.done $0x0  }
0x46: {  	p0 =	sne.s32 s16, s8;
	[sflag:s12] =	ssyncadd.s32 $0xFFFFFB00  }
.Ltmp1:
0x47: {  	[bflag:$0x0] =	sbarrier.arrive $0xFFFF;
	(pc) =	sbr.rel @p0 .LBB2_1-.Ltmp1, $4  }
0x48: {  	[hbm:s7], [sflag:s6] =	dma.local [spmem:s11], $0x4F0  }
0x49: {  	_ =	swait.ge [sflag:s12], $0x4F0  }
0x4a: {  	[sflag:s12] =	ssyncset.done $0x0  }
0x4b: {  	[sflag:s12] =	ssyncadd.s32 $0xFFFFFB10  }
0x4c: {  	_ =	sfence.sel $0x180000  }
0x4d: {  	[bflag:$0x0] =	sbarrier.arrive $0xFFFF  }
0x4e: {  	p0 =	sne.s32 s1, $0x0;
	_ =	strace $0x90000047  }
0x4f: {  	s0 =	sadd.s32 @!p0 $0x100000, s0;
	[bflag:$0x2] =	sbarrier.arrive $0xFFFF  }
0x50: {  	[sflag:s0] =	ssyncadd.tile.s32 @!p0 $0x1;
	_ =	shalt  }
.Lfunc_end2:
_tile_overlayer_lowered:
.L_overlay_start_2:
0x51: {  	(tag) =	ssettag $0x2  }
0x52: {  	s0 =	rddreg [dreg:$0x0];
	s2 =	stileid.u32  }
0x53: {  	s1 =	rddreg [dreg:$0x1];
	p0 =	sne.s32 s2, $0x0  }
0x54: {  	s3 =	rddreg [dreg:$0x2];
	[bflag:$0x3] =	sbarrier.arrive $0xFFFF;
	s2 =	simm.s32 @!p0 $0x1C02  }
0x55: {  	[timem:s3], [sflag:s2] =	dma.local @!p0 [hbm:s0], s1  }
0x56: {  	s0 =	simm.s32 @!p0 $0x2  }
0x57: {  	_ =	swait.ge @!p0 [sflag:s0], s1  }
0x58: {  	s1 =	ssub.s32 @!p0 $0x0, s1;
	[sflag:s0] =	ssyncset.done @!p0 $0x0  }
0x59: {  	[sflag:s0] =	ssyncadd.s32 @!p0 s1  }
0x5a: {  	[bflag:$0x3] =	sbarrier.arrive $0xFFFF  }
0x5b: {  	_ =	shalt  }

</sc_bundles>
